<compile_context>
chip_gen: v7x
topology: tpu7x:2x2x1
jax: 0.10.2.dev20260603
libtpu: 0.0.44.dev20260713+nightly
codegen_flags: <defaults>
</compile_context>

<pallas_src>
import jax
import jax.numpy as jnp
from jax import lax
from jax.experimental import pallas as pl
from jax.experimental.pallas import tpu as pltpu
from jax.experimental.pallas import tpu_sc as plsc

_N_E = 8192
_E_DIM = 32
_BETA = 0.25
_ROWS = 8192
_BLK = 512
_GRID = _ROWS // _BLK
_BPI = 1024 // _BLK


def _tc_body(zb, cbt, zs, cs, idx_ref, loss_ref):
    lanes = lax.broadcasted_iota(jnp.int32, (1, _N_E), 1).astype(jnp.float32)
    zt = zb[0].reshape(_E_DIM, _BLK).astype(jnp.bfloat16)
    scores = lax.dot_general(zt, cbt[...], (((0,), (0,)), ((), ())),
                             preferred_element_type=jnp.float32)
    zcol = jnp.transpose(zs[...], (1, 0))
    d = (zcol + cs[...]) - 2.0 * scores
    mn = jnp.min(d, axis=1, keepdims=True)
    idx = jnp.min(jnp.where(d == mn, lanes, jnp.float32(2**24)), axis=1)
    idx_ref[...] = idx[None, :].astype(jnp.int32)
    s = jnp.sum(mn, axis=0, keepdims=True)

    @pl.when(pl.program_id(0) == 0)
    def _init():
        loss_ref[...] = s

    @pl.when(pl.program_id(0) > 0)
    def _acc():
        loss_ref[...] += s


_tc_argmin = pl.pallas_call(
    _tc_body,
    grid=(_GRID,),
    in_specs=[
        pl.BlockSpec((1, _E_DIM, _BLK // 32, 32),
                     lambda i: (i // _BPI, 0, i % _BPI, 0)),
        pl.BlockSpec((_E_DIM, _N_E), lambda i: (0, 0)),
        pl.BlockSpec((1, _BLK), lambda i: (0, i)),
        pl.BlockSpec((1, _N_E), lambda i: (0, 0)),
    ],
    out_specs=[
        pl.BlockSpec((1, _BLK), lambda i: (0, i)),
        pl.BlockSpec((1, 1), lambda i: (0, 0)),
    ],
    out_shape=[
        jax.ShapeDtypeStruct((1, _ROWS), jnp.int32),
        jax.ShapeDtypeStruct((1, 1), jnp.float32),
    ],
)


_PADW = 128


_LANES = 16


def _sc_gather_call(cb_pad, idx):
    info = plsc.get_sparse_core_info()
    nw = info.num_cores * info.num_subcores
    bpw = _ROWS // nw
    nc = info.num_cores
    tpi = 1024 // bpw

    def body(cb_hbm, idx_hbm, out_hbm, idx_v, rows_v, outt_v, sem):
        wid = lax.axis_index("s") * nc + lax.axis_index("c")
        base = wid * bpw
        pltpu.sync_copy(idx_hbm.at[0, pl.ds(base, bpw)], idx_v)
        pltpu.async_copy(cb_hbm.at[idx_v], rows_v, sem).wait()
        hpt = bpw // 32

        @plsc.parallel_loop(0, bpw // _LANES)
        def _t(p16):
            pidx = p16 * _LANES + lax.iota(jnp.int32, _LANES)
            h = p16 // 2
            w0 = (p16 % 2) * _LANES
            for c in range(_E_DIM):
                cvec = jnp.full((_LANES,), c, dtype=jnp.int32)
                outt_v[c, h, pl.ds(w0, _LANES)] = plsc.load_gather(
                    rows_v, [pidx, cvec])

        b = wid // tpi
        h0 = (wid % tpi) * hpt
        pltpu.sync_copy(outt_v, out_hbm.at[b, :, pl.ds(h0, hpt), :])

    gather = pl.kernel(
        body,
        out_type=jax.ShapeDtypeStruct((8, _E_DIM, 32, 32), jnp.float32),
        mesh=plsc.VectorSubcoreMesh(core_axis_name="c", subcore_axis_name="s"),
        compiler_params=pltpu.CompilerParams(needs_layout_passes=False),
        scratch_types=[
            pltpu.VMEM((bpw,), jnp.int32),
            pltpu.VMEM((bpw, _PADW), jnp.float32),
            pltpu.VMEM((_E_DIM, bpw // 32, 32), jnp.float32),
            pltpu.SemaphoreType.DMA,
        ],
    )
    return gather(cb_pad, idx)


def kernel(z, codebook):
    zp = jnp.transpose(z, (0, 2, 3, 1))
    z_flat = zp.reshape(-1, _E_DIM)
    zsum = jnp.sum(z_flat**2, axis=1).reshape(1, -1)
    csum = jnp.sum(codebook**2, axis=1).reshape(1, -1)
    cbt_bf = codebook.astype(jnp.bfloat16).T
    cb_q = codebook.astype(jnp.bfloat16).astype(jnp.float32)
    cb_pad = jnp.pad(cb_q, ((0, 0), (0, _PADW - _E_DIM)))

    idx2d, loss_sum = _tc_argmin(z, cbt_bf, zsum, csum)
    z_q = _sc_gather_call(cb_pad, idx2d)

    v = loss_sum[0, 0] / jnp.float32(_ROWS * _E_DIM)
    codebook_loss = v + v * jnp.float32(_BETA)
    return (z_q, codebook_loss)

# --- scband reference (transcript-rebuilt; emitter-appended) ---
"""Pipeline reference for scband-vector-quantizer-80298708566609 (READ-ONLY COPY).

The authoritative reference and input builder live on the scoring server;
editing this copy changes nothing except your own understanding.
"""

import jax, jax.numpy as jnp
import numpy as np

N_E = 8192
E_DIM = 32
BETA = 0.25


def setup_inputs(seed: int = 0) -> dict:
    key = jax.random.key(seed)
    k1, k2 = jax.random.split(key)
    z = jax.random.normal(k1, (8, 32, 32, 32), dtype=jnp.float32)
    # embedding table (codebook), default nn.Embedding init ~ N(0, 1)
    codebook = jax.random.normal(k2, (N_E, E_DIM), dtype=jnp.float32)
    return {"z": z, "codebook": codebook}


def reference(z, codebook):
    beta = BETA
    # (B, C, H, W) -> (B, H, W, C)
    zp = jnp.transpose(z, (0, 2, 3, 1))
    z_flat = zp.reshape(-1, codebook.shape[1])
    # squared L2 distance to every code
    d = (jnp.sum(z_flat ** 2, axis=1, keepdims=True)
         + jnp.sum(codebook ** 2, axis=1)
         - 2.0 * jnp.matmul(z_flat, codebook.T))
    min_encoding_indices = jnp.argmin(d, axis=1)
    # one-hot scatter, then matmul gather of codebook rows (faithful to torch impl)
    min_encodings = jax.nn.one_hot(min_encoding_indices, codebook.shape[0], dtype=z_flat.dtype)
    z_q = jnp.matmul(min_encodings, codebook)
    z_q = z_q.reshape(zp.shape)
    e_latent_loss = jnp.mean((jax.lax.stop_gradient(z_q) - zp) ** 2)
    q_latent_loss = jnp.mean((z_q - jax.lax.stop_gradient(zp)) ** 2)
    codebook_loss = q_latent_loss + e_latent_loss * beta
    # straight-through estimator
    z_q = zp + jax.lax.stop_gradient(z_q - zp)
    z_q = jnp.transpose(z_q, (0, 3, 1, 2))
    return (z_q, codebook_loss)

if __name__ == "__main__":
    import jax
    _d = setup_inputs()
    print(jax.jit(kernel)(*tuple(_d.values())))

</pallas_src>

<mosaic_0001>
#map = affine_map<(d0, d1) -> (0, 0)>
#map1 = affine_map<(d0, d1) -> (0, 0, 0, 0)>
module attributes {stable_mosaic.version = 14 : i64} {
  func.func @body(%arg0: i32, %arg1: i32, %arg2: memref<8192x128xf32, #tpu.memory_space<hbm>>, %arg3: memref<1x8192xi32, #tpu.memory_space<hbm>>, %arg4: memref<8x32x32x32xf32, #tpu.memory_space<hbm>>, %arg5: memref<256xi32, #tpu.memory_space<vmem>>, %arg6: memref<256x128xf32, #tpu.memory_space<vmem>>, %arg7: memref<32x8x32xf32, #tpu.memory_space<vmem>>, %arg8: memref<!tpu.dma_semaphore, #tpu.memory_space<semaphore_mem>>) attributes {dimension_semantics = [#tpu.dimension_semantics<core_parallel>, #tpu.dimension_semantics<subcore_parallel>], iteration_bounds = array<i64: 2, 16>, scalar_prefetch = 0 : i64, scratch_operands = 4 : i64, tpu.core_type = #tpu.core_type<sc_vector_subcore>, window_params = [{transform_indices = #map}, {transform_indices = #map}, {transform_indices = #map1}]} {
    %mul3A = arith.constant 2 : i32
    %mul3A_0 = arith.muli %arg1, %mul3A : i32
    %add3A = arith.addi %mul3A_0, %arg0 : i32
    %mul3A_1 = arith.constant 256 : i32
    %mul3A_2 = arith.muli %add3A, %mul3A_1 : i32
    %run_scoped3A = arith.constant 0 : i32
    "tpu.region"() ({
      %run_scoped3A_41 = tpu.sem_alloc : memref<!tpu.dma_semaphore, #tpu.memory_space<semaphore_mem>>
      %dma_start3A_42 = tpu.memref_slice %arg3[%run_scoped3A, %mul3A_2] : memref<1x8192xi32, #tpu.memory_space<hbm>> -> memref<1x256xi32, #tpu.memory_space<hbm>>
      %dma_start3A_43 = tpu.memref_squeeze %dma_start3A_42 : memref<1x256xi32, #tpu.memory_space<hbm>> -> memref<256xi32, #tpu.memory_space<hbm>>
      %dma_start3A_44 = tpu.memref_slice %arg3[%run_scoped3A, %mul3A_2] : memref<1x8192xi32, #tpu.memory_space<hbm>> -> memref<1x256xi32, #tpu.memory_space<hbm>>
      %dma_start3A_45 = tpu.memref_squeeze %dma_start3A_44 : memref<1x256xi32, #tpu.memory_space<hbm>> -> memref<256xi32, #tpu.memory_space<hbm>>
      tpu.enqueue_dma source(%dma_start3A_45 : memref<256xi32, #tpu.memory_space<hbm>>) target(%arg5 : memref<256xi32, #tpu.memory_space<vmem>>) target_semaphore(%run_scoped3A_41 : memref<!tpu.dma_semaphore, #tpu.memory_space<semaphore_mem>>)
      %dma_wait3A_46 = tpu.memref_slice %arg3[%run_scoped3A, %mul3A_2] : memref<1x8192xi32, #tpu.memory_space<hbm>> -> memref<1x256xi32, #tpu.memory_space<hbm>>
      %dma_wait3A_47 = tpu.memref_squeeze %dma_wait3A_46 : memref<1x256xi32, #tpu.memory_space<hbm>> -> memref<256xi32, #tpu.memory_space<hbm>>
      %dma_wait3A_48 = tpu.memref_slice %arg3[%run_scoped3A, %mul3A_2] : memref<1x8192xi32, #tpu.memory_space<hbm>> -> memref<1x256xi32, #tpu.memory_space<hbm>>
      %dma_wait3A_49 = tpu.memref_squeeze %dma_wait3A_48 : memref<1x256xi32, #tpu.memory_space<hbm>> -> memref<256xi32, #tpu.memory_space<hbm>>
      tpu.wait_dma2 semaphore(%run_scoped3A_41 : memref<!tpu.dma_semaphore, #tpu.memory_space<semaphore_mem>>) src(%dma_wait3A_49 : memref<256xi32, #tpu.memory_space<hbm>>) dst(%arg5 : memref<256xi32, #tpu.memory_space<vmem>>)
      tpu.yield
    }) : () -> ()
    %dma_start3A = arith.constant 0 : i32
    %dma_start3A_3 = arith.constant 0 : i32
    %dma_start3A_4 = tpu.memref_slice %arg2[%dma_start3A, %dma_start3A_3] : memref<8192x128xf32, #tpu.memory_space<hbm>> -> memref<8192x128xf32, #tpu.memory_space<hbm>>
    tpu.enqueue_indirect_dma source(%dma_start3A_4 : memref<8192x128xf32, #tpu.memory_space<hbm>>) target(%arg6 : memref<256x128xf32, #tpu.memory_space<vmem>>) offsets(%arg5 : memref<256xi32, #tpu.memory_space<vmem>>) semaphore(%arg8 : memref<!tpu.dma_semaphore, #tpu.memory_space<semaphore_mem>>)
    %dma_wait3A = arith.constant 0 : i32
    %dma_wait3A_5 = arith.constant 0 : i32
    %dma_wait3A_6 = tpu.memref_slice %arg2[%dma_wait3A, %dma_wait3A_5] : memref<8192x128xf32, #tpu.memory_space<hbm>> -> memref<8192x128xf32, #tpu.memory_space<hbm>>
    tpu.wait_indirect_dma semaphore(%arg8 : memref<!tpu.dma_semaphore, #tpu.memory_space<semaphore_mem>>) src(%dma_wait3A_6 : memref<8192x128xf32, #tpu.memory_space<hbm>>) dst(%arg6 : memref<256x128xf32, #tpu.memory_space<vmem>>)
    %parallel_loop3A = arith.constant 0 : i32
    %parallel_loop3A_7 = arith.constant 16 : i32
    %parallel_loop3A_8 = arith.constant 1 : i32
    scf.for %parallel_loop3A_41 = %parallel_loop3A to %parallel_loop3A_7 step %parallel_loop3A_8  : i32 {
      %parallel_loop3A_42 = arith.constant 16 : i32
      %parallel_loop3A_43 = arith.muli %parallel_loop3A_41, %parallel_loop3A_42 : i32
      %parallel_loop3A_44 = tpu.iota {dimensions = array<i32: 0>} : vector<16xi32>
      %parallel_loop3A_45 = vector.broadcast %parallel_loop3A_43 : i32 to vector<16xi32>
      %parallel_loop3A_46 = arith.addi %parallel_loop3A_45, %parallel_loop3A_44 : vector<16xi32>
      %parallel_loop3A_47 = arith.constant 2 : i32
      %parallel_loop3A_48 = arith.divsi %parallel_loop3A_41, %parallel_loop3A_47 : i32
      %parallel_loop3A_49 = arith.constant 0 : i32
      %parallel_loop3A_50 = arith.cmpi sgt, %parallel_loop3A_41, %parallel_loop3A_49 : i32
      %parallel_loop3A_51 = arith.extui %parallel_loop3A_50 : i1 to i32
      %parallel_loop3A_52 = arith.constant 0 : i32
      %parallel_loop3A_53 = arith.cmpi slt, %parallel_loop3A_41, %parallel_loop3A_52 : i32
      %parallel_loop3A_54 = arith.extui %parallel_loop3A_53 : i1 to i32
      %parallel_loop3A_55 = arith.subi %parallel_loop3A_51, %parallel_loop3A_54 : i32
      %parallel_loop3A_56 = arith.constant 0 : i32
      %parallel_loop3A_57 = arith.cmpi sgt, %parallel_loop3A_47, %parallel_loop3A_56 : i32
      %parallel_loop3A_58 = arith.extui %parallel_loop3A_57 : i1 to i32
      %parallel_loop3A_59 = arith.constant 0 : i32
      %parallel_loop3A_60 = arith.cmpi slt, %parallel_loop3A_47, %parallel_loop3A_59 : i32
      %parallel_loop3A_61 = arith.extui %parallel_loop3A_60 : i1 to i32
      %parallel_loop3A_62 = arith.subi %parallel_loop3A_58, %parallel_loop3A_61 : i32
      %parallel_loop3A_63 = arith.cmpi ne, %parallel_loop3A_55, %parallel_loop3A_62 : i32
      %parallel_loop3A_64 = arith.remsi %parallel_loop3A_41, %parallel_loop3A_47 : i32
      %parallel_loop3A_65 = arith.constant 0 : i32
      %parallel_loop3A_66 = arith.cmpi ne, %parallel_loop3A_64, %parallel_loop3A_65 : i32
      %parallel_loop3A_67 = arith.andi %parallel_loop3A_63, %parallel_loop3A_66 : i1
      %parallel_loop3A_68 = arith.constant 1 : i32
      %parallel_loop3A_69 = arith.subi %parallel_loop3A_48, %parallel_loop3A_68 : i32
      %parallel_loop3A_70 = arith.select %parallel_loop3A_67, %parallel_loop3A_69, %parallel_loop3A_48 : i32
      %parallel_loop3A_71 = arith.constant 2 : i32
      %parallel_loop3A_72 = arith.constant 0 : i32
      %parallel_loop3A_73 = arith.cmpi eq, %parallel_loop3A_71, %parallel_loop3A_72 : i32
      %parallel_loop3A_74 = arith.constant 1 : i32
      %parallel_loop3A_75 = arith.select %parallel_loop3A_73, %parallel_loop3A_74, %parallel_loop3A_71 : i32
      %parallel_loop3A_76 = arith.remsi %parallel_loop3A_41, %parallel_loop3A_75 : i32
      %parallel_loop3A_77 = arith.constant 0 : i32
      %parallel_loop3A_78 = arith.cmpi ne, %parallel_loop3A_76, %parallel_loop3A_77 : i32
      %parallel_loop3A_79 = arith.constant 0 : i32
      %parallel_loop3A_80 = arith.cmpi slt, %parallel_loop3A_76, %parallel_loop3A_79 : i32
      %parallel_loop3A_81 = arith.constant 0 : i32
      %parallel_loop3A_82 = arith.cmpi slt, %parallel_loop3A_75, %parallel_loop3A_81 : i32
      %parallel_loop3A_83 = arith.xori %parallel_loop3A_80, %parallel_loop3A_82 : i1
      %parallel_loop3A_84 = arith.andi %parallel_loop3A_83, %parallel_loop3A_78 : i1
      %parallel_loop3A_85 = arith.addi %parallel_loop3A_76, %parallel_loop3A_75 : i32
      %parallel_loop3A_86 = arith.select %parallel_loop3A_84, %parallel_loop3A_85, %parallel_loop3A_76 : i32
      %parallel_loop3A_87 = arith.constant 16 : i32
      %parallel_loop3A_88 = arith.muli %parallel_loop3A_86, %parallel_loop3A_87 : i32
      %parallel_loop3A_89 = arith.constant 0 : i32
      %parallel_loop3A_90 = vector.broadcast %parallel_loop3A_89 : i32 to vector<16xi32>
      %parallel_loop3A_91 = tpu.vector_load_idx %arg6[%parallel_loop3A_46, %parallel_loop3A_90] : memref<256x128xf32, #tpu.memory_space<vmem>>[vector<16xi32>, vector<16xi32>], vector<16xf32>,
      %parallel_loop3A_92 = arith.constant 0 : i32
      %parallel_loop3A_93 = arith.index_cast %parallel_loop3A_92 : i32 to index
      %parallel_loop3A_94 = arith.index_cast %parallel_loop3A_70 : i32 to index
      %parallel_loop3A_95 = arith.index_cast %parallel_loop3A_88 : i32 to index
      %parallel_loop3A_96 = tpu.vector_load %arg7[%parallel_loop3A_93, %parallel_loop3A_94, %parallel_loop3A_95] {strides = array<i32>} : memref<32x8x32xf32, #tpu.memory_space<vmem>>, vector<16xf32>,
      tpu.vector_store %arg7[%parallel_loop3A_93, %parallel_loop3A_94, %parallel_loop3A_95], %parallel_loop3A_91 {strides = array<i32>} : memref<32x8x32xf32, #tpu.memory_space<vmem>>, vector<16xf32>,
      %parallel_loop3A_97 = arith.constant 1 : i32
      %parallel_loop3A_98 = vector.broadcast %parallel_loop3A_97 : i32 to vector<16xi32>
      %parallel_loop3A_99 = tpu.vector_load_idx %arg6[%parallel_loop3A_46, %parallel_loop3A_98] : memref<256x128xf32, #tpu.memory_space<vmem>>[vector<16xi32>, vector<16xi32>], vector<16xf32>,
      %parallel_loop3A_100 = arith.constant 1 : i32
      %parallel_loop3A_101 = arith.index_cast %parallel_loop3A_100 : i32 to index
      %parallel_loop3A_102 = arith.index_cast %parallel_loop3A_70 : i32 to index
      %parallel_loop3A_103 = arith.index_cast %parallel_loop3A_88 : i32 to index
      %parallel_loop3A_104 = tpu.vector_load %arg7[%parallel_loop3A_101, %parallel_loop3A_102, %parallel_loop3A_103] {strides = array<i32>} : memref<32x8x32xf32, #tpu.memory_space<vmem>>, vector<16xf32>,
      tpu.vector_store %arg7[%parallel_loop3A_101, %parallel_loop3A_102, %parallel_loop3A_103], %parallel_loop3A_99 {strides = array<i32>} : memref<32x8x32xf32, #tpu.memory_space<vmem>>, vector<16xf32>,
      %parallel_loop3A_105 = arith.constant 2 : i32
      %parallel_loop3A_106 = vector.broadcast %parallel_loop3A_105 : i32 to vector<16xi32>
      %parallel_loop3A_107 = tpu.vector_load_idx %arg6[%parallel_loop3A_46, %parallel_loop3A_106] : memref<256x128xf32, #tpu.memory_space<vmem>>[vector<16xi32>, vector<16xi32>], vector<16xf32>,
      %parallel_loop3A_108 = arith.constant 2 : i32
      %parallel_loop3A_109 = arith.index_cast %parallel_loop3A_108 : i32 to index
      %parallel_loop3A_110 = arith.index_cast %parallel_loop3A_70 : i32 to index
      %parallel_loop3A_111 = arith.index_cast %parallel_loop3A_88 : i32 to index
      %parallel_loop3A_112 = tpu.vector_load %arg7[%parallel_loop3A_109, %parallel_loop3A_110, %parallel_loop3A_111] {strides = array<i32>} : memref<32x8x32xf32, #tpu.memory_space<vmem>>, vector<16xf32>,
      tpu.vector_store %arg7[%parallel_loop3A_109, %parallel_loop3A_110, %parallel_loop3A_111], %parallel_loop3A_107 {strides = array<i32>} : memref<32x8x32xf32, #tpu.memory_space<vmem>>, vector<16xf32>,
      %parallel_loop3A_113 = arith.constant 3 : i32
      %parallel_loop3A_114 = vector.broadcast %parallel_loop3A_113 : i32 to vector<16xi32>
      %parallel_loop3A_115 = tpu.vector_load_idx %arg6[%parallel_loop3A_46, %parallel_loop3A_114] : memref<256x128xf32, #tpu.memory_space<vmem>>[vector<16xi32>, vector<16xi32>], vector<16xf32>,
      %parallel_loop3A_116 = arith.constant 3 : i32
      %parallel_loop3A_117 = arith.index_cast %parallel_loop3A_116 : i32 to index
      %parallel_loop3A_118 = arith.index_cast %parallel_loop3A_70 : i32 to index
      %parallel_loop3A_119 = arith.index_cast %parallel_loop3A_88 : i32 to index
      %parallel_loop3A_120 = tpu.vector_load %arg7[%parallel_loop3A_117, %parallel_loop3A_118, %parallel_loop3A_119] {strides = array<i32>} : memref<32x8x32xf32, #tpu.memory_space<vmem>>, vector<16xf32>,
      tpu.vector_store %arg7[%parallel_loop3A_117, %parallel_loop3A_118, %parallel_loop3A_119], %parallel_loop3A_115 {strides = array<i32>} : memref<32x8x32xf32, #tpu.memory_space<vmem>>, vector<16xf32>,
      %parallel_loop3A_121 = arith.constant 4 : i32
      %parallel_loop3A_122 = vector.broadcast %parallel_loop3A_121 : i32 to vector<16xi32>
      %parallel_loop3A_123 = tpu.vector_load_idx %arg6[%parallel_loop3A_46, %parallel_loop3A_122] : memref<256x128xf32, #tpu.memory_space<vmem>>[vector<16xi32>, vector<16xi32>], vector<16xf32>,
      %parallel_loop3A_124 = arith.constant 4 : i32
      %parallel_loop3A_125 = arith.index_cast %parallel_loop3A_124 : i32 to index
      %parallel_loop3A_126 = arith.index_cast %parallel_loop3A_70 : i32 to index
      %parallel_loop3A_127 = arith.index_cast %parallel_loop3A_88 : i32 to index
      %parallel_loop3A_128 = tpu.vector_load %arg7[%parallel_loop3A_125, %parallel_loop3A_126, %parallel_loop3A_127] {strides = array<i32>} : memref<32x8x32xf32, #tpu.memory_space<vmem>>, vector<16xf32>,
      tpu.vector_store %arg7[%parallel_loop3A_125, %parallel_loop3A_126, %parallel_loop3A_127], %parallel_loop3A_123 {strides = array<i32>} : memref<32x8x32xf32, #tpu.memory_space<vmem>>, vector<16xf32>,
      %parallel_loop3A_129 = arith.constant 5 : i32
      %parallel_loop3A_130 = vector.broadcast %parallel_loop3A_129 : i32 to vector<16xi32>
      %parallel_loop3A_131 = tpu.vector_load_idx %arg6[%parallel_loop3A_46, %parallel_loop3A_130] : memref<256x128xf32, #tpu.memory_space<vmem>>[vector<16xi32>, vector<16xi32>], vector<16xf32>,
      %parallel_loop3A_132 = arith.constant 5 : i32
      %parallel_loop3A_133 = arith.index_cast %parallel_loop3A_132 : i32 to index
      %parallel_loop3A_134 = arith.index_cast %parallel_loop3A_70 : i32 to index
      %parallel_loop3A_135 = arith.index_cast %parallel_loop3A_88 : i32 to index
      %parallel_loop3A_136 = tpu.vector_load %arg7[%parallel_loop3A_133, %parallel_loop3A_134, %parallel_loop3A_135] {strides = array<i32>} : memref<32x8x32xf32, #tpu.memory_space<vmem>>, vector<16xf32>,
      tpu.vector_store %arg7[%parallel_loop3A_133, %parallel_loop3A_134, %parallel_loop3A_135], %parallel_loop3A_131 {strides = array<i32>} : memref<32x8x32xf32, #tpu.memory_space<vmem>>, vector<16xf32>,
      %parallel_loop3A_137 = arith.constant 6 : i32
      %parallel_loop3A_138 = vector.broadcast %parallel_loop3A_137 : i32 to vector<16xi32>
      %parallel_loop3A_139 = tpu.vector_load_idx %arg6[%parallel_loop3A_46, %parallel_loop3A_138] : memref<256x128xf32, #tpu.memory_space<vmem>>[vector<16xi32>, vector<16xi32>], vector<16xf32>,
      %parallel_loop3A_140 = arith.constant 6 : i32
      %parallel_loop3A_141 = arith.index_cast %parallel_loop3A_140 : i32 to index
      %parallel_loop3A_142 = arith.index_cast %parallel_loop3A_70 : i32 to index
      %parallel_loop3A_143 = arith.index_cast %parallel_loop3A_88 : i32 to index
      %parallel_loop3A_144 = tpu.vector_load %arg7[%parallel_loop3A_141, %parallel_loop3A_142, %parallel_loop3A_143] {strides = array<i32>} : memref<32x8x32xf32, #tpu.memory_space<vmem>>, vector<16xf32>,
      tpu.vector_store %arg7[%parallel_loop3A_141, %parallel_loop3A_142, %parallel_loop3A_143], %parallel_loop3A_139 {strides = array<i32>} : memref<32x8x32xf32, #tpu.memory_space<vmem>>, vector<16xf32>,
      %parallel_loop3A_145 = arith.constant 7 : i32
      %parallel_loop3A_146 = vector.broadcast %parallel_loop3A_145 : i32 to vector<16xi32>
      %parallel_loop3A_147 = tpu.vector_load_idx %arg6[%parallel_loop3A_46, %parallel_loop3A_146] : memref<256x128xf32, #tpu.memory_space<vmem>>[vector<16xi32>, vector<16xi32>], vector<16xf32>,
      %parallel_loop3A_148 = arith.constant 7 : i32
      %parallel_loop3A_149 = arith.index_cast %parallel_loop3A_148 : i32 to index
      %parallel_loop3A_150 = arith.index_cast %parallel_loop3A_70 : i32 to index
      %parallel_loop3A_151 = arith.index_cast %parallel_loop3A_88 : i32 to index
      %parallel_loop3A_152 = tpu.vector_load %arg7[%parallel_loop3A_149, %parallel_loop3A_150, %parallel_loop3A_151] {strides = array<i32>} : memref<32x8x32xf32, #tpu.memory_space<vmem>>, vector<16xf32>,
      tpu.vector_store %arg7[%parallel_loop3A_149, %parallel_loop3A_150, %parallel_loop3A_151], %parallel_loop3A_147 {strides = array<i32>} : memref<32x8x32xf32, #tpu.memory_space<vmem>>, vector<16xf32>,
      %parallel_loop3A_153 = arith.constant 8 : i32
      %parallel_loop3A_154 = vector.broadcast %parallel_loop3A_153 : i32 to vector<16xi32>
      %parallel_loop3A_155 = tpu.vector_load_idx %arg6[%parallel_loop3A_46, %parallel_loop3A_154] : memref<256x128xf32, #tpu.memory_space<vmem>>[vector<16xi32>, vector<16xi32>], vector<16xf32>,
      %parallel_loop3A_156 = arith.constant 8 : i32
      %parallel_loop3A_157 = arith.index_cast %parallel_loop3A_156 : i32 to index
      %parallel_loop3A_158 = arith.index_cast %parallel_loop3A_70 : i32 to index
      %parallel_loop3A_159 = arith.index_cast %parallel_loop3A_88 : i32 to index
      %parallel_loop3A_160 = tpu.vector_load %arg7[%parallel_loop3A_157, %parallel_loop3A_158, %parallel_loop3A_159] {strides = array<i32>} : memref<32x8x32xf32, #tpu.memory_space<vmem>>, vector<16xf32>,
      tpu.vector_store %arg7[%parallel_loop3A_157, %parallel_loop3A_158, %parallel_loop3A_159], %parallel_loop3A_155 {strides = array<i32>} : memref<32x8x32xf32, #tpu.memory_space<vmem>>, vector<16xf32>,
      %parallel_loop3A_161 = arith.constant 9 : i32
      %parallel_loop3A_162 = vector.broadcast %parallel_loop3A_161 : i32 to vector<16xi32>
      %parallel_loop3A_163 = tpu.vector_load_idx %arg6[%parallel_loop3A_46, %parallel_loop3A_162] : memref<256x128xf32, #tpu.memory_space<vmem>>[vector<16xi32>, vector<16xi32>], vector<16xf32>,
      %parallel_loop3A_164 = arith.constant 9 : i32
      %parallel_loop3A_165 = arith.index_cast %parallel_loop3A_164 : i32 to index
      %parallel_loop3A_166 = arith.index_cast %parallel_loop3A_70 : i32 to index
      %parallel_loop3A_167 = arith.index_cast %parallel_loop3A_88 : i32 to index
      %parallel_loop3A_168 = tpu.vector_load %arg7[%parallel_loop3A_165, %parallel_loop3A_166, %parallel_loop3A_167] {strides = array<i32>} : memref<32x8x32xf32, #tpu.memory_space<vmem>>, vector<16xf32>,
      tpu.vector_store %arg7[%parallel_loop3A_165, %parallel_loop3A_166, %parallel_loop3A_167], %parallel_loop3A_163 {strides = array<i32>} : memref<32x8x32xf32, #tpu.memory_space<vmem>>, vector<16xf32>,
      %parallel_loop3A_169 = arith.constant 10 : i32
      %parallel_loop3A_170 = vector.broadcast %parallel_loop3A_169 : i32 to vector<16xi32>
      %parallel_loop3A_171 = tpu.vector_load_idx %arg6[%parallel_loop3A_46, %parallel_loop3A_170] : memref<256x128xf32, #tpu.memory_space<vmem>>[vector<16xi32>, vector<16xi32>], vector<16xf32>,
      %parallel_loop3A_172 = arith.constant 10 : i32
      %parallel_loop3A_173 = arith.index_cast %parallel_loop3A_172 : i32 to index
      %parallel_loop3A_174 = arith.index_cast %parallel_loop3A_70 : i32 to index
      %parallel_loop3A_175 = arith.index_cast %parallel_loop3A_88 : i32 to index
      %parallel_loop3A_176 = tpu.vector_load %arg7[%parallel_loop3A_173, %parallel_loop3A_174, %parallel_loop3A_175] {strides = array<i32>} : memref<32x8x32xf32, #tpu.memory_space<vmem>>, vector<16xf32>,
      tpu.vector_store %arg7[%parallel_loop3A_173, %parallel_loop3A_174, %parallel_loop3A_175], %parallel_loop3A_171 {strides = array<i32>} : memref<32x8x32xf32, #tpu.memory_space<vmem>>, vector<16xf32>,
      %parallel_loop3A_177 = arith.constant 11 : i32
      %parallel_loop3A_178 = vector.broadcast %parallel_loop3A_177 : i32 to vector<16xi32>
      %parallel_loop3A_179 = tpu.vector_load_idx %arg6[%parallel_loop3A_46, %parallel_loop3A_178] : memref<256x128xf32, #tpu.memory_space<vmem>>[vector<16xi32>, vector<16xi32>], vector<16xf32>,
      %parallel_loop3A_180 = arith.constant 11 : i32
      %parallel_loop3A_181 = arith.index_cast %parallel_loop3A_180 : i32 to index
      %parallel_loop3A_182 = arith.index_cast %parallel_loop3A_70 : i32 to index
      %parallel_loop3A_183 = arith.index_cast %parallel_loop3A_88 : i32 to index
      %parallel_loop3A_184 = tpu.vector_load %arg7[%parallel_loop3A_181, %parallel_loop3A_182, %parallel_loop3A_183] {strides = array<i32>} : memref<32x8x32xf32, #tpu.memory_space<vmem>>, vector<16xf32>,
      tpu.vector_store %arg7[%parallel_loop3A_181, %parallel_loop3A_182, %parallel_loop3A_183], %parallel_loop3A_179 {strides = array<i32>} : memref<32x8x32xf32, #tpu.memory_space<vmem>>, vector<16xf32>,
      %parallel_loop3A_185 = arith.constant 12 : i32
      %parallel_loop3A_186 = vector.broadcast %parallel_loop3A_185 : i32 to vector<16xi32>
      %parallel_loop3A_187 = tpu.vector_load_idx %arg6[%parallel_loop3A_46, %parallel_loop3A_186] : memref<256x128xf32, #tpu.memory_space<vmem>>[vector<16xi32>, vector<16xi32>], vector<16xf32>,
      %parallel_loop3A_188 = arith.constant 12 : i32
      %parallel_loop3A_189 = arith.index_cast %parallel_loop3A_188 : i32 to index
      %parallel_loop3A_190 = arith.index_cast %parallel_loop3A_70 : i32 to index
      %parallel_loop3A_191 = arith.index_cast %parallel_loop3A_88 : i32 to index
      %parallel_loop3A_192 = tpu.vector_load %arg7[%parallel_loop3A_189, %parallel_loop3A_190, %parallel_loop3A_191] {strides = array<i32>} : memref<32x8x32xf32, #tpu.memory_space<vmem>>, vector<16xf32>,
      tpu.vector_store %arg7[%parallel_loop3A_189, %parallel_loop3A_190, %parallel_loop3A_191], %parallel_loop3A_187 {strides = array<i32>} : memref<32x8x32xf32, #tpu.memory_space<vmem>>, vector<16xf32>,
      %parallel_loop3A_193 = arith.constant 13 : i32
      %parallel_loop3A_194 = vector.broadcast %parallel_loop3A_193 : i32 to vector<16xi32>
      %parallel_loop3A_195 = tpu.vector_load_idx %arg6[%parallel_loop3A_46, %parallel_loop3A_194] : memref<256x128xf32, #tpu.memory_space<vmem>>[vector<16xi32>, vector<16xi32>], vector<16xf32>,
      %parallel_loop3A_196 = arith.constant 13 : i32
      %parallel_loop3A_197 = arith.index_cast %parallel_loop3A_196 : i32 to index
      %parallel_loop3A_198 = arith.index_cast %parallel_loop3A_70 : i32 to index
      %parallel_loop3A_199 = arith.index_cast %parallel_loop3A_88 : i32 to index
      %parallel_loop3A_200 = tpu.vector_load %arg7[%parallel_loop3A_197, %parallel_loop3A_198, %parallel_loop3A_199] {strides = array<i32>} : memref<32x8x32xf32, #tpu.memory_space<vmem>>, vector<16xf32>,
      tpu.vector_store %arg7[%parallel_loop3A_197, %parallel_loop3A_198, %parallel_loop3A_199], %parallel_loop3A_195 {strides = array<i32>} : memref<32x8x32xf32, #tpu.memory_space<vmem>>, vector<16xf32>,
      %parallel_loop3A_201 = arith.constant 14 : i32
      %parallel_loop3A_202 = vector.broadcast %parallel_loop3A_201 : i32 to vector<16xi32>
      %parallel_loop3A_203 = tpu.vector_load_idx %arg6[%parallel_loop3A_46, %parallel_loop3A_202] : memref<256x128xf32, #tpu.memory_space<vmem>>[vector<16xi32>, vector<16xi32>], vector<16xf32>,
      %parallel_loop3A_204 = arith.constant 14 : i32
      %parallel_loop3A_205 = arith.index_cast %parallel_loop3A_204 : i32 to index
      %parallel_loop3A_206 = arith.index_cast %parallel_loop3A_70 : i32 to index
      %parallel_loop3A_207 = arith.index_cast %parallel_loop3A_88 : i32 to index
      %parallel_loop3A_208 = tpu.vector_load %arg7[%parallel_loop3A_205, %parallel_loop3A_206, %parallel_loop3A_207] {strides = array<i32>} : memref<32x8x32xf32, #tpu.memory_space<vmem>>, vector<16xf32>,
      tpu.vector_store %arg7[%parallel_loop3A_205, %parallel_loop3A_206, %parallel_loop3A_207], %parallel_loop3A_203 {strides = array<i32>} : memref<32x8x32xf32, #tpu.memory_space<vmem>>, vector<16xf32>,
      %parallel_loop3A_209 = arith.constant 15 : i32
      %parallel_loop3A_210 = vector.broadcast %parallel_loop3A_209 : i32 to vector<16xi32>
      %parallel_loop3A_211 = tpu.vector_load_idx %arg6[%parallel_loop3A_46, %parallel_loop3A_210] : memref<256x128xf32, #tpu.memory_space<vmem>>[vector<16xi32>, vector<16xi32>], vector<16xf32>,
      %parallel_loop3A_212 = arith.constant 15 : i32
      %parallel_loop3A_213 = arith.index_cast %parallel_loop3A_212 : i32 to index
      %parallel_loop3A_214 = arith.index_cast %parallel_loop3A_70 : i32 to index
      %parallel_loop3A_215 = arith.index_cast %parallel_loop3A_88 : i32 to index
      %parallel_loop3A_216 = tpu.vector_load %arg7[%parallel_loop3A_213, %parallel_loop3A_214, %parallel_loop3A_215] {strides = array<i32>} : memref<32x8x32xf32, #tpu.memory_space<vmem>>, vector<16xf32>,
      tpu.vector_store %arg7[%parallel_loop3A_213, %parallel_loop3A_214, %parallel_loop3A_215], %parallel_loop3A_211 {strides = array<i32>} : memref<32x8x32xf32, #tpu.memory_space<vmem>>, vector<16xf32>,
      %parallel_loop3A_217 = arith.constant 16 : i32
      %parallel_loop3A_218 = vector.broadcast %parallel_loop3A_217 : i32 to vector<16xi32>
      %parallel_loop3A_219 = tpu.vector_load_idx %arg6[%parallel_loop3A_46, %parallel_loop3A_218] : memref<256x128xf32, #tpu.memory_space<vmem>>[vector<16xi32>, vector<16xi32>], vector<16xf32>,
      %parallel_loop3A_220 = arith.constant 16 : i32
      %parallel_loop3A_221 = arith.index_cast %parallel_loop3A_220 : i32 to index
      %parallel_loop3A_222 = arith.index_cast %parallel_loop3A_70 : i32 to index
      %parallel_loop3A_223 = arith.index_cast %parallel_loop3A_88 : i32 to index
      %parallel_loop3A_224 = tpu.vector_load %arg7[%parallel_loop3A_221, %parallel_loop3A_222, %parallel_loop3A_223] {strides = array<i32>} : memref<32x8x32xf32, #tpu.memory_space<vmem>>, vector<16xf32>,
      tpu.vector_store %arg7[%parallel_loop3A_221, %parallel_loop3A_222, %parallel_loop3A_223], %parallel_loop3A_219 {strides = array<i32>} : memref<32x8x32xf32, #tpu.memory_space<vmem>>, vector<16xf32>,
      %parallel_loop3A_225 = arith.constant 17 : i32
      %parallel_loop3A_226 = vector.broadcast %parallel_loop3A_225 : i32 to vector<16xi32>
      %parallel_loop3A_227 = tpu.vector_load_idx %arg6[%parallel_loop3A_46, %parallel_loop3A_226] : memref<256x128xf32, #tpu.memory_space<vmem>>[vector<16xi32>, vector<16xi32>], vector<16xf32>,
      %parallel_loop3A_228 = arith.constant 17 : i32
      %parallel_loop3A_229 = arith.index_cast %parallel_loop3A_228 : i32 to index
      %parallel_loop3A_230 = arith.index_cast %parallel_loop3A_70 : i32 to index
      %parallel_loop3A_231 = arith.index_cast %parallel_loop3A_88 : i32 to index
      %parallel_loop3A_232 = tpu.vector_load %arg7[%parallel_loop3A_229, %parallel_loop3A_230, %parallel_loop3A_231] {strides = array<i32>} : memref<32x8x32xf32, #tpu.memory_space<vmem>>, vector<16xf32>,
      tpu.vector_store %arg7[%parallel_loop3A_229, %parallel_loop3A_230, %parallel_loop3A_231], %parallel_loop3A_227 {strides = array<i32>} : memref<32x8x32xf32, #tpu.memory_space<vmem>>, vector<16xf32>,
      %parallel_loop3A_233 = arith.constant 18 : i32
      %parallel_loop3A_234 = vector.broadcast %parallel_loop3A_233 : i32 to vector<16xi32>
      %parallel_loop3A_235 = tpu.vector_load_idx %arg6[%parallel_loop3A_46, %parallel_loop3A_234] : memref<256x128xf32, #tpu.memory_space<vmem>>[vector<16xi32>, vector<16xi32>], vector<16xf32>,
      %parallel_loop3A_236 = arith.constant 18 : i32
      %parallel_loop3A_237 = arith.index_cast %parallel_loop3A_236 : i32 to index
      %parallel_loop3A_238 = arith.index_cast %parallel_loop3A_70 : i32 to index
      %parallel_loop3A_239 = arith.index_cast %parallel_loop3A_88 : i32 to index
      %parallel_loop3A_240 = tpu.vector_load %arg7[%parallel_loop3A_237, %parallel_loop3A_238, %parallel_loop3A_239] {strides = array<i32>} : memref<32x8x32xf32, #tpu.memory_space<vmem>>, vector<16xf32>,
      tpu.vector_store %arg7[%parallel_loop3A_237, %parallel_loop3A_238, %parallel_loop3A_239], %parallel_loop3A_235 {strides = array<i32>} : memref<32x8x32xf32, #tpu.memory_space<vmem>>, vector<16xf32>,
      %parallel_loop3A_241 = arith.constant 19 : i32
      %parallel_loop3A_242 = vector.broadcast %parallel_loop3A_241 : i32 to vector<16xi32>
      %parallel_loop3A_243 = tpu.vector_load_idx %arg6[%parallel_loop3A_46, %parallel_loop3A_242] : memref<256x128xf32, #tpu.memory_space<vmem>>[vector<16xi32>, vector<16xi32>], vector<16xf32>,
      %parallel_loop3A_244 = arith.constant 19 : i32
      %parallel_loop3A_245 = arith.index_cast %parallel_loop3A_244 : i32 to index
      %parallel_loop3A_246 = arith.index_cast %parallel_loop3A_70 : i32 to index
      %parallel_loop3A_247 = arith.index_cast %parallel_loop3A_88 : i32 to index
      %parallel_loop3A_248 = tpu.vector_load %arg7[%parallel_loop3A_245, %parallel_loop3A_246, %parallel_loop3A_247] {strides = array<i32>} : memref<32x8x32xf32, #tpu.memory_space<vmem>>, vector<16xf32>,
      tpu.vector_store %arg7[%parallel_loop3A_245, %parallel_loop3A_246, %parallel_loop3A_247], %parallel_loop3A_243 {strides = array<i32>} : memref<32x8x32xf32, #tpu.memory_space<vmem>>, vector<16xf32>,
      %parallel_loop3A_249 = arith.constant 20 : i32
      %parallel_loop3A_250 = vector.broadcast %parallel_loop3A_249 : i32 to vector<16xi32>
      %parallel_loop3A_251 = tpu.vector_load_idx %arg6[%parallel_loop3A_46, %parallel_loop3A_250] : memref<256x128xf32, #tpu.memory_space<vmem>>[vector<16xi32>, vector<16xi32>], vector<16xf32>,
      %parallel_loop3A_252 = arith.constant 20 : i32
      %parallel_loop3A_253 = arith.index_cast %parallel_loop3A_252 : i32 to index
      %parallel_loop3A_254 = arith.index_cast %parallel_loop3A_70 : i32 to index
      %parallel_loop3A_255 = arith.index_cast %parallel_loop3A_88 : i32 to index
      %parallel_loop3A_256 = tpu.vector_load %arg7[%parallel_loop3A_253, %parallel_loop3A_254, %parallel_loop3A_255] {strides = array<i32>} : memref<32x8x32xf32, #tpu.memory_space<vmem>>, vector<16xf32>,
      tpu.vector_store %arg7[%parallel_loop3A_253, %parallel_loop3A_254, %parallel_loop3A_255], %parallel_loop3A_251 {strides = array<i32>} : memref<32x8x32xf32, #tpu.memory_space<vmem>>, vector<16xf32>,
      %parallel_loop3A_257 = arith.constant 21 : i32
      %parallel_loop3A_258 = vector.broadcast %parallel_loop3A_257 : i32 to vector<16xi32>
      %parallel_loop3A_259 = tpu.vector_load_idx %arg6[%parallel_loop3A_46, %parallel_loop3A_258] : memref<256x128xf32, #tpu.memory_space<vmem>>[vector<16xi32>, vector<16xi32>], vector<16xf32>,
      %parallel_loop3A_260 = arith.constant 21 : i32
      %parallel_loop3A_261 = arith.index_cast %parallel_loop3A_260 : i32 to index
      %parallel_loop3A_262 = arith.index_cast %parallel_loop3A_70 : i32 to index
      %parallel_loop3A_263 = arith.index_cast %parallel_loop3A_88 : i32 to index
      %parallel_loop3A_264 = tpu.vector_load %arg7[%parallel_loop3A_261, %parallel_loop3A_262, %parallel_loop3A_263] {strides = array<i32>} : memref<32x8x32xf32, #tpu.memory_space<vmem>>, vector<16xf32>,
      tpu.vector_store %arg7[%parallel_loop3A_261, %parallel_loop3A_262, %parallel_loop3A_263], %parallel_loop3A_259 {strides = array<i32>} : memref<32x8x32xf32, #tpu.memory_space<vmem>>, vector<16xf32>,
      %parallel_loop3A_265 = arith.constant 22 : i32
      %parallel_loop3A_266 = vector.broadcast %parallel_loop3A_265 : i32 to vector<16xi32>
      %parallel_loop3A_267 = tpu.vector_load_idx %arg6[%parallel_loop3A_46, %parallel_loop3A_266] : memref<256x128xf32, #tpu.memory_space<vmem>>[vector<16xi32>, vector<16xi32>], vector<16xf32>,
      %parallel_loop3A_268 = arith.constant 22 : i32
      %parallel_loop3A_269 = arith.index_cast %parallel_loop3A_268 : i32 to index
      %parallel_loop3A_270 = arith.index_cast %parallel_loop3A_70 : i32 to index
      %parallel_loop3A_271 = arith.index_cast %parallel_loop3A_88 : i32 to index
      %parallel_loop3A_272 = tpu.vector_load %arg7[%parallel_loop3A_269, %parallel_loop3A_270, %parallel_loop3A_271] {strides = array<i32>} : memref<32x8x32xf32, #tpu.memory_space<vmem>>, vector<16xf32>,
      tpu.vector_store %arg7[%parallel_loop3A_269, %parallel_loop3A_270, %parallel_loop3A_271], %parallel_loop3A_267 {strides = array<i32>} : memref<32x8x32xf32, #tpu.memory_space<vmem>>, vector<16xf32>,
      %parallel_loop3A_273 = arith.constant 23 : i32
      %parallel_loop3A_274 = vector.broadcast %parallel_loop3A_273 : i32 to vector<16xi32>
      %parallel_loop3A_275 = tpu.vector_load_idx %arg6[%parallel_loop3A_46, %parallel_loop3A_274] : memref<256x128xf32, #tpu.memory_space<vmem>>[vector<16xi32>, vector<16xi32>], vector<16xf32>,
      %parallel_loop3A_276 = arith.constant 23 : i32
      %parallel_loop3A_277 = arith.index_cast %parallel_loop3A_276 : i32 to index
      %parallel_loop3A_278 = arith.index_cast %parallel_loop3A_70 : i32 to index
      %parallel_loop3A_279 = arith.index_cast %parallel_loop3A_88 : i32 to index
      %parallel_loop3A_280 = tpu.vector_load %arg7[%parallel_loop3A_277, %parallel_loop3A_278, %parallel_loop3A_279] {strides = array<i32>} : memref<32x8x32xf32, #tpu.memory_space<vmem>>, vector<16xf32>,
      tpu.vector_store %arg7[%parallel_loop3A_277, %parallel_loop3A_278, %parallel_loop3A_279], %parallel_loop3A_275 {strides = array<i32>} : memref<32x8x32xf32, #tpu.memory_space<vmem>>, vector<16xf32>,
      %parallel_loop3A_281 = arith.constant 24 : i32
      %parallel_loop3A_282 = vector.broadcast %parallel_loop3A_281 : i32 to vector<16xi32>
      %parallel_loop3A_283 = tpu.vector_load_idx %arg6[%parallel_loop3A_46, %parallel_loop3A_282] : memref<256x128xf32, #tpu.memory_space<vmem>>[vector<16xi32>, vector<16xi32>], vector<16xf32>,
      %parallel_loop3A_284 = arith.constant 24 : i32
      %parallel_loop3A_285 = arith.index_cast %parallel_loop3A_284 : i32 to index
      %parallel_loop3A_286 = arith.index_cast %parallel_loop3A_70 : i32 to index
      %parallel_loop3A_287 = arith.index_cast %parallel_loop3A_88 : i32 to index
      %parallel_loop3A_288 = tpu.vector_load %arg7[%parallel_loop3A_285, %parallel_loop3A_286, %parallel_loop3A_287] {strides = array<i32>} : memref<32x8x32xf32, #tpu.memory_space<vmem>>, vector<16xf32>,
      tpu.vector_store %arg7[%parallel_loop3A_285, %parallel_loop3A_286, %parallel_loop3A_287], %parallel_loop3A_283 {strides = array<i32>} : memref<32x8x32xf32, #tpu.memory_space<vmem>>, vector<16xf32>,
      %parallel_loop3A_289 = arith.constant 25 : i32
      %parallel_loop3A_290 = vector.broadcast %parallel_loop3A_289 : i32 to vector<16xi32>
      %parallel_loop3A_291 = tpu.vector_load_idx %arg6[%parallel_loop3A_46, %parallel_loop3A_290] : memref<256x128xf32, #tpu.memory_space<vmem>>[vector<16xi32>, vector<16xi32>], vector<16xf32>,
      %parallel_loop3A_292 = arith.constant 25 : i32
      %parallel_loop3A_293 = arith.index_cast %parallel_loop3A_292 : i32 to index
      %parallel_loop3A_294 = arith.index_cast %parallel_loop3A_70 : i32 to index
      %parallel_loop3A_295 = arith.index_cast %parallel_loop3A_88 : i32 to index
      %parallel_loop3A_296 = tpu.vector_load %arg7[%parallel_loop3A_293, %parallel_loop3A_294, %parallel_loop3A_295] {strides = array<i32>} : memref<32x8x32xf32, #tpu.memory_space<vmem>>, vector<16xf32>,
      tpu.vector_store %arg7[%parallel_loop3A_293, %parallel_loop3A_294, %parallel_loop3A_295], %parallel_loop3A_291 {strides = array<i32>} : memref<32x8x32xf32, #tpu.memory_space<vmem>>, vector<16xf32>,
      %parallel_loop3A_297 = arith.constant 26 : i32
      %parallel_loop3A_298 = vector.broadcast %parallel_loop3A_297 : i32 to vector<16xi32>
      %parallel_loop3A_299 = tpu.vector_load_idx %arg6[%parallel_loop3A_46, %parallel_loop3A_298] : memref<256x128xf32, #tpu.memory_space<vmem>>[vector<16xi32>, vector<16xi32>], vector<16xf32>,
      %parallel_loop3A_300 = arith.constant 26 : i32
      %parallel_loop3A_301 = arith.index_cast %parallel_loop3A_300 : i32 to index
      %parallel_loop3A_302 = arith.index_cast %parallel_loop3A_70 : i32 to index
      %parallel_loop3A_303 = arith.index_cast %parallel_loop3A_88 : i32 to index
      %parallel_loop3A_304 = tpu.vector_load %arg7[%parallel_loop3A_301, %parallel_loop3A_302, %parallel_loop3A_303] {strides = array<i32>} : memref<32x8x32xf32, #tpu.memory_space<vmem>>, vector<16xf32>,
      tpu.vector_store %arg7[%parallel_loop3A_301, %parallel_loop3A_302, %parallel_loop3A_303], %parallel_loop3A_299 {strides = array<i32>} : memref<32x8x32xf32, #tpu.memory_space<vmem>>, vector<16xf32>,
      %parallel_loop3A_305 = arith.constant 27 : i32
      %parallel_loop3A_306 = vector.broadcast %parallel_loop3A_305 : i32 to vector<16xi32>
      %parallel_loop3A_307 = tpu.vector_load_idx %arg6[%parallel_loop3A_46, %parallel_loop3A_306] : memref<256x128xf32, #tpu.memory_space<vmem>>[vector<16xi32>, vector<16xi32>], vector<16xf32>,
      %parallel_loop3A_308 = arith.constant 27 : i32
      %parallel_loop3A_309 = arith.index_cast %parallel_loop3A_308 : i32 to index
      %parallel_loop3A_310 = arith.index_cast %parallel_loop3A_70 : i32 to index
      %parallel_loop3A_311 = arith.index_cast %parallel_loop3A_88 : i32 to index
      %parallel_loop3A_312 = tpu.vector_load %arg7[%parallel_loop3A_309, %parallel_loop3A_310, %parallel_loop3A_311] {strides = array<i32>} : memref<32x8x32xf32, #tpu.memory_space<vmem>>, vector<16xf32>,
      tpu.vector_store %arg7[%parallel_loop3A_309, %parallel_loop3A_310, %parallel_loop3A_311], %parallel_loop3A_307 {strides = array<i32>} : memref<32x8x32xf32, #tpu.memory_space<vmem>>, vector<16xf32>,
      %parallel_loop3A_313 = arith.constant 28 : i32
      %parallel_loop3A_314 = vector.broadcast %parallel_loop3A_313 : i32 to vector<16xi32>
      %parallel_loop3A_315 = tpu.vector_load_idx %arg6[%parallel_loop3A_46, %parallel_loop3A_314] : memref<256x128xf32, #tpu.memory_space<vmem>>[vector<16xi32>, vector<16xi32>], vector<16xf32>,
      %parallel_loop3A_316 = arith.constant 28 : i32
      %parallel_loop3A_317 = arith.index_cast %parallel_loop3A_316 : i32 to index
      %parallel_loop3A_318 = arith.index_cast %parallel_loop3A_70 : i32 to index
      %parallel_loop3A_319 = arith.index_cast %parallel_loop3A_88 : i32 to index
      %parallel_loop3A_320 = tpu.vector_load %arg7[%parallel_loop3A_317, %parallel_loop3A_318, %parallel_loop3A_319] {strides = array<i32>} : memref<32x8x32xf32, #tpu.memory_space<vmem>>, vector<16xf32>,
      tpu.vector_store %arg7[%parallel_loop3A_317, %parallel_loop3A_318, %parallel_loop3A_319], %parallel_loop3A_315 {strides = array<i32>} : memref<32x8x32xf32, #tpu.memory_space<vmem>>, vector<16xf32>,
      %parallel_loop3A_321 = arith.constant 29 : i32
      %parallel_loop3A_322 = vector.broadcast %parallel_loop3A_321 : i32 to vector<16xi32>
      %parallel_loop3A_323 = tpu.vector_load_idx %arg6[%parallel_loop3A_46, %parallel_loop3A_322] : memref<256x128xf32, #tpu.memory_space<vmem>>[vector<16xi32>, vector<16xi32>], vector<16xf32>,
      %parallel_loop3A_324 = arith.constant 29 : i32
      %parallel_loop3A_325 = arith.index_cast %parallel_loop3A_324 : i32 to index
      %parallel_loop3A_326 = arith.index_cast %parallel_loop3A_70 : i32 to index
      %parallel_loop3A_327 = arith.index_cast %parallel_loop3A_88 : i32 to index
      %parallel_loop3A_328 = tpu.vector_load %arg7[%parallel_loop3A_325, %parallel_loop3A_326, %parallel_loop3A_327] {strides = array<i32>} : memref<32x8x32xf32, #tpu.memory_space<vmem>>, vector<16xf32>,
      tpu.vector_store %arg7[%parallel_loop3A_325, %parallel_loop3A_326, %parallel_loop3A_327], %parallel_loop3A_323 {strides = array<i32>} : memref<32x8x32xf32, #tpu.memory_space<vmem>>, vector<16xf32>,
      %parallel_loop3A_329 = arith.constant 30 : i32
      %parallel_loop3A_330 = vector.broadcast %parallel_loop3A_329 : i32 to vector<16xi32>
      %parallel_loop3A_331 = tpu.vector_load_idx %arg6[%parallel_loop3A_46, %parallel_loop3A_330] : memref<256x128xf32, #tpu.memory_space<vmem>>[vector<16xi32>, vector<16xi32>], vector<16xf32>,
      %parallel_loop3A_332 = arith.constant 30 : i32
      %parallel_loop3A_333 = arith.index_cast %parallel_loop3A_332 : i32 to index
      %parallel_loop3A_334 = arith.index_cast %parallel_loop3A_70 : i32 to index
      %parallel_loop3A_335 = arith.index_cast %parallel_loop3A_88 : i32 to index
      %parallel_loop3A_336 = tpu.vector_load %arg7[%parallel_loop3A_333, %parallel_loop3A_334, %parallel_loop3A_335] {strides = array<i32>} : memref<32x8x32xf32, #tpu.memory_space<vmem>>, vector<16xf32>,
      tpu.vector_store %arg7[%parallel_loop3A_333, %parallel_loop3A_334, %parallel_loop3A_335], %parallel_loop3A_331 {strides = array<i32>} : memref<32x8x32xf32, #tpu.memory_space<vmem>>, vector<16xf32>,
      %parallel_loop3A_337 = arith.constant 31 : i32
      %parallel_loop3A_338 = vector.broadcast %parallel_loop3A_337 : i32 to vector<16xi32>
      %parallel_loop3A_339 = tpu.vector_load_idx %arg6[%parallel_loop3A_46, %parallel_loop3A_338] : memref<256x128xf32, #tpu.memory_space<vmem>>[vector<16xi32>, vector<16xi32>], vector<16xf32>,
      %parallel_loop3A_340 = arith.constant 31 : i32
      %parallel_loop3A_341 = arith.index_cast %parallel_loop3A_340 : i32 to index
      %parallel_loop3A_342 = arith.index_cast %parallel_loop3A_70 : i32 to index
      %parallel_loop3A_343 = arith.index_cast %parallel_loop3A_88 : i32 to index
      %parallel_loop3A_344 = tpu.vector_load %arg7[%parallel_loop3A_341, %parallel_loop3A_342, %parallel_loop3A_343] {strides = array<i32>} : memref<32x8x32xf32, #tpu.memory_space<vmem>>, vector<16xf32>,
      tpu.vector_store %arg7[%parallel_loop3A_341, %parallel_loop3A_342, %parallel_loop3A_343], %parallel_loop3A_339 {strides = array<i32>} : memref<32x8x32xf32, #tpu.memory_space<vmem>>, vector<16xf32>,
    } {sc.loop_unroll_factor = 1 : i64, sc.parallel_access}
    %jit3A = arith.constant 4 : i32
    %div3A = arith.divsi %add3A, %jit3A : i32
    %sign3A = arith.constant 0 : i32
    %sign3A_9 = arith.cmpi sgt, %add3A, %sign3A : i32
    %sign3A_10 = arith.extui %sign3A_9 : i1 to i32
    %sign3A_11 = arith.constant 0 : i32
    %sign3A_12 = arith.cmpi slt, %add3A, %sign3A_11 : i32
    %sign3A_13 = arith.extui %sign3A_12 : i1 to i32
    %sign3A_14 = arith.subi %sign3A_10, %sign3A_13 : i32
    %sign3A_15 = arith.constant 0 : i32
    %sign3A_16 = arith.cmpi sgt, %jit3A, %sign3A_15 : i32
    %sign3A_17 = arith.extui %sign3A_16 : i1 to i32
    %sign3A_18 = arith.constant 0 : i32
    %sign3A_19 = arith.cmpi slt, %jit3A, %sign3A_18 : i32
    %sign3A_20 = arith.extui %sign3A_19 : i1 to i32
    %sign3A_21 = arith.subi %sign3A_17, %sign3A_20 : i32
    %ne3A = arith.cmpi ne, %sign3A_14, %sign3A_21 : i32
    %rem3A = arith.remsi %add3A, %jit3A : i32
    %ne3A_22 = arith.constant 0 : i32
    %ne3A_23 = arith.cmpi ne, %rem3A, %ne3A_22 : i32
    %and3A = arith.andi %ne3A, %ne3A_23 : i1
    %sub3A = arith.constant 1 : i32
    %sub3A_24 = arith.subi %div3A, %sub3A : i32
    %select_n3A = arith.select %and3A, %sub3A_24, %div3A : i32
    %jit3A_25 = arith.constant 4 : i32
    %eq3A = arith.constant 0 : i32
    %eq3A_26 = arith.cmpi eq, %jit3A_25, %eq3A : i32
    %jit3A_27 = arith.constant 1 : i32
    %select_n3A_28 = arith.select %eq3A_26, %jit3A_27, %jit3A_25 : i32
    %rem3A_29 = arith.remsi %add3A, %select_n3A_28 : i32
    %ne3A_30 = arith.constant 0 : i32
    %ne3A_31 = arith.cmpi ne, %rem3A_29, %ne3A_30 : i32
    %lt3A = arith.constant 0 : i32
    %lt3A_32 = arith.cmpi slt, %rem3A_29, %lt3A : i32
    %lt3A_33 = arith.constant 0 : i32
    %lt3A_34 = arith.cmpi slt, %select_n3A_28, %lt3A_33 : i32
    %ne3A_35 = arith.xori %lt3A_32, %lt3A_34 : i1
    %and3A_36 = arith.andi %ne3A_35, %ne3A_31 : i1
    %add3A_37 = arith.addi %rem3A_29, %select_n3A_28 : i32
    %select_n3A_38 = arith.select %and3A_36, %add3A_37, %rem3A_29 : i32
    %mul3A_39 = arith.constant 8 : i32
    %mul3A_40 = arith.muli %select_n3A_38, %mul3A_39 : i32
    "tpu.region"() ({
      %run_scoped3A_41 = tpu.sem_alloc : memref<!tpu.dma_semaphore, #tpu.memory_space<semaphore_mem>>
      %dma_start3A_42 = arith.constant 0 : i32
      %dma_start3A_43 = arith.constant 0 : i32
      %dma_start3A_44 = tpu.memref_slice %arg4[%select_n3A, %dma_start3A_42, %mul3A_40, %dma_start3A_43] : memref<8x32x32x32xf32, #tpu.memory_space<hbm>> -> memref<1x32x8x32xf32, #tpu.memory_space<hbm>>
      %dma_start3A_45 = tpu.memref_squeeze %dma_start3A_44 : memref<1x32x8x32xf32, #tpu.memory_space<hbm>> -> memref<32x8x32xf32, #tpu.memory_space<hbm>>
      %dma_start3A_46 = arith.constant 0 : i32
      %dma_start3A_47 = arith.constant 0 : i32
      %dma_start3A_48 = tpu.memref_slice %arg4[%select_n3A, %dma_start3A_46, %mul3A_40, %dma_start3A_47] : memref<8x32x32x32xf32, #tpu.memory_space<hbm>> -> memref<1x32x8x32xf32, #tpu.memory_space<hbm>>
      %dma_start3A_49 = tpu.memref_squeeze %dma_start3A_48 : memref<1x32x8x32xf32, #tpu.memory_space<hbm>> -> memref<32x8x32xf32, #tpu.memory_space<hbm>>
      tpu.enqueue_dma source(%arg7 : memref<32x8x32xf32, #tpu.memory_space<vmem>>) target(%dma_start3A_49 : memref<32x8x32xf32, #tpu.memory_space<hbm>>) target_semaphore(%run_scoped3A_41 : memref<!tpu.dma_semaphore, #tpu.memory_space<semaphore_mem>>)
      %dma_wait3A_50 = arith.constant 0 : i32
      %dma_wait3A_51 = arith.constant 0 : i32
      %dma_wait3A_52 = tpu.memref_slice %arg4[%select_n3A, %dma_wait3A_50, %mul3A_40, %dma_wait3A_51] : memref<8x32x32x32xf32, #tpu.memory_space<hbm>> -> memref<1x32x8x32xf32, #tpu.memory_space<hbm>>
      %dma_wait3A_53 = tpu.memref_squeeze %dma_wait3A_52 : memref<1x32x8x32xf32, #tpu.memory_space<hbm>> -> memref<32x8x32xf32, #tpu.memory_space<hbm>>
      %dma_wait3A_54 = arith.constant 0 : i32
      %dma_wait3A_55 = arith.constant 0 : i32
      %dma_wait3A_56 = tpu.memref_slice %arg4[%select_n3A, %dma_wait3A_54, %mul3A_40, %dma_wait3A_55] : memref<8x32x32x32xf32, #tpu.memory_space<hbm>> -> memref<1x32x8x32xf32, #tpu.memory_space<hbm>>
      %dma_wait3A_57 = tpu.memref_squeeze %dma_wait3A_56 : memref<1x32x8x32xf32, #tpu.memory_space<hbm>> -> memref<32x8x32xf32, #tpu.memory_space<hbm>>
      tpu.wait_dma2 semaphore(%run_scoped3A_41 : memref<!tpu.dma_semaphore, #tpu.memory_space<semaphore_mem>>) src(%arg7 : memref<32x8x32xf32, #tpu.memory_space<vmem>>) dst(%dma_wait3A_57 : memref<32x8x32xf32, #tpu.memory_space<hbm>>)
      tpu.yield
    }) : () -> ()
    return
  }
}

module attributes {stable_mosaic.version = 14 : i64} {
  func.func @_tc_body(%arg0: i32, %arg1: memref<1x32x16x32xf32, #tpu.memory_space<vmem>>, %arg2: memref<32x8192xbf16, #tpu.memory_space<vmem>>, %arg3: memref<1x512xf32, #tpu.memory_space<vmem>>, %arg4: memref<1x8192xf32, #tpu.memory_space<vmem>>, %arg5: memref<1x512xi32, #tpu.memory_space<vmem>>, %arg6: memref<1x1xf32, #tpu.memory_space<vmem>>) attributes {dimension_semantics = [#tpu.dimension_semantics<arbitrary>], iteration_bounds = array<i64: 16>, scalar_prefetch = 0 : i64, scratch_operands = 0 : i64, tpu.core_type = #tpu.core_type<tc>, window_params = [{transform_indices = @transform_0, window_bounds = array<i64: 1, 32, 16, 32>}, {pipeline_mode = #tpu.pipeline_mode<synchronous>, transform_indices = @transform_1, window_bounds = array<i64: 32, 8192>}, {transform_indices = @transform_2, window_bounds = array<i64: 1, 512>}, {pipeline_mode = #tpu.pipeline_mode<synchronous>, transform_indices = @transform_3, window_bounds = array<i64: 1, 8192>}, {transform_indices = @transform_4, window_bounds = array<i64: 1, 512>}, {pipeline_mode = #tpu.pipeline_mode<synchronous>, transform_indices = @transform_5, window_bounds = array<i64: 1, 1>}]} {
    %iota3A = tpu.iota {dimensions = array<i32: 1>} : vector<1x8192xi32>
    %convert_element_type3A = arith.sitofp %iota3A : vector<1x8192xi32> to vector<1x8192xf32>
    %get3A = arith.constant 0 : index
    %get3A_0 = arith.constant 0 : index
    %get3A_1 = arith.constant 0 : index
    %get3A_2 = arith.constant 0 : index
    %get3A_3 = vector.load %arg1[%get3A, %get3A_0, %get3A_1, %get3A_2] : memref<1x32x16x32xf32, #tpu.memory_space<vmem>>, vector<1x32x16x32xf32>
    %get3A_4 = vector.shape_cast %get3A_3 : vector<1x32x16x32xf32> to vector<32x16x32xf32>
    %reshape3A = vector.shape_cast %get3A_4 : vector<32x16x32xf32> to vector<32x512xf32>
    %convert_element_type3A_5 = arith.truncf %reshape3A : vector<32x512xf32> to vector<32x512xbf16>
    %get3A_6 = arith.constant 0 : index
    %get3A_7 = arith.constant 0 : index
    %get3A_8 = vector.load %arg2[%get3A_6, %get3A_7] : memref<32x8192xbf16, #tpu.memory_space<vmem>>, vector<32x8192xbf16>
    %dot_general3A = arith.constant dense<0.000000e+00> : vector<512x8192xf32>
    %dot_general3A_9 = tpu.matmul %convert_element_type3A_5, %get3A_8, %dot_general3A {dimension_numbers = #tpu.dot_dimension_numbers<[0], [0], [1], [1], [0, 1, 1, 1], [], []>, transpose_lhs_hint = false} : vector<32x512xbf16>, vector<32x8192xbf16>, vector<512x8192xf32> -> vector<512x8192xf32>
    %get3A_10 = arith.constant 0 : index
    %get3A_11 = arith.constant 0 : index
    %get3A_12 = vector.load %arg3[%get3A_10, %get3A_11] : memref<1x512xf32, #tpu.memory_space<vmem>>, vector<1x512xf32>
    %transpose3A = tpu.transpose %get3A_12, [1, 0] : vector<1x512xf32> -> vector<512x1xf32>
    %get3A_13 = arith.constant 0 : index
    %get3A_14 = arith.constant 0 : index
    %get3A_15 = vector.load %arg4[%get3A_13, %get3A_14] : memref<1x8192xf32, #tpu.memory_space<vmem>>, vector<1x8192xf32>
    %add3A = vector.broadcast %transpose3A : vector<512x1xf32> to vector<512x8192xf32>
    %add3A_16 = vector.broadcast %get3A_15 : vector<1x8192xf32> to vector<512x8192xf32>
    %add3A_17 = arith.addf %add3A, %add3A_16 : vector<512x8192xf32>
    %mul3A = arith.constant 2.000000e+00 : f32
    %mul3A_18 = vector.broadcast %mul3A : f32 to vector<512x8192xf32>
    %mul3A_19 = arith.mulf %mul3A_18, %dot_general3A_9 : vector<512x8192xf32>
    %sub3A = arith.subf %add3A_17, %mul3A_19 : vector<512x8192xf32>
    %reduce_min3A = arith.constant dense<0x7F800000> : vector<512xf32>
    %reduce_min3A_20 = vector.multi_reduction <minimumf>, %sub3A, %reduce_min3A [1] : vector<512x8192xf32> to vector<512xf32>
    %broadcast_in_dim3A = vector.shape_cast %reduce_min3A_20 : vector<512xf32> to vector<512x1xf32>
    %eq3A = vector.broadcast %broadcast_in_dim3A : vector<512x1xf32> to vector<512x8192xf32>
    %eq3A_21 = arith.cmpf oeq, %sub3A, %eq3A : vector<512x8192xf32>
    %jit3A = arith.constant 0x4B800000 : f32
    %broadcast_in_dim3A_22 = vector.shape_cast %convert_element_type3A : vector<1x8192xf32> to vector<1x8192xf32>
    %broadcast_in_dim3A_23 = vector.broadcast %broadcast_in_dim3A_22 : vector<1x8192xf32> to vector<512x8192xf32>
    %broadcast_in_dim3A_24 = vector.broadcast %jit3A : f32 to vector<512x8192xf32>
    %select_n3A = arith.select %eq3A_21, %broadcast_in_dim3A_23, %broadcast_in_dim3A_24 : vector<512x8192xi1>, vector<512x8192xf32>
    %reduce_min3A_25 = arith.constant dense<0x7F800000> : vector<512xf32>
    %reduce_min3A_26 = vector.multi_reduction <minimumf>, %select_n3A, %reduce_min3A_25 [1] : vector<512x8192xf32> to vector<512xf32>
    %broadcast_in_dim3A_27 = vector.shape_cast %reduce_min3A_26 : vector<512xf32> to vector<1x512xf32>
    %convert_element_type3A_28 = arith.fptosi %broadcast_in_dim3A_27 : vector<1x512xf32> to vector<1x512xi32>
    %swap3A = arith.constant 0 : index
    %swap3A_29 = arith.constant 0 : index
    %swap3A_30 = vector.load %arg5[%swap3A, %swap3A_29] : memref<1x512xi32, #tpu.memory_space<vmem>>, vector<1x512xi32>
    tpu.vector_store %arg5[%swap3A, %swap3A_29], %convert_element_type3A_28 {strides = array<i32>} : memref<1x512xi32, #tpu.memory_space<vmem>>, vector<1x512xi32>,
    %reduce_sum3A = arith.constant dense<0.000000e+00> : vector<1xf32>
    %reduce_sum3A_31 = vector.multi_reduction <add>, %broadcast_in_dim3A, %reduce_sum3A [0] : vector<512x1xf32> to vector<1xf32>
    %broadcast_in_dim3A_32 = vector.shape_cast %reduce_sum3A_31 : vector<1xf32> to vector<1x1xf32>
    %eq3A_33 = arith.constant 0 : i32
    %eq3A_34 = arith.cmpi eq, %arg0, %eq3A_33 : i32
    %convert_element_type3A_35 = arith.extui %eq3A_34 : i1 to i32
    %cond3A = arith.constant 0 : i32
    %cond3A_36 = arith.cmpi ne, %convert_element_type3A_35, %cond3A : i32
    scf.if %cond3A_36 {
      %swap3A_41 = arith.constant 0 : index
      %swap3A_42 = arith.constant 0 : index
      %swap3A_43 = vector.load %arg6[%swap3A_41, %swap3A_42] : memref<1x1xf32, #tpu.memory_space<vmem>>, vector<1x1xf32>
      tpu.vector_store %arg6[%swap3A_41, %swap3A_42], %broadcast_in_dim3A_32 {strides = array<i32>} : memref<1x1xf32, #tpu.memory_space<vmem>>, vector<1x1xf32>,
    } else {
    }
    %gt3A = arith.constant 0 : i32
    %gt3A_37 = arith.cmpi sgt, %arg0, %gt3A : i32
    %convert_element_type3A_38 = arith.extui %gt3A_37 : i1 to i32
    %cond3A_39 = arith.constant 0 : i32
    %cond3A_40 = arith.cmpi ne, %convert_element_type3A_38, %cond3A_39 : i32
    scf.if %cond3A_40 {
      %get3A_41 = arith.constant 0 : index
      %get3A_42 = arith.constant 0 : index
      %get3A_43 = vector.load %arg6[%get3A_41, %get3A_42] : memref<1x1xf32, #tpu.memory_space<vmem>>, vector<1x1xf32>
      %add3A_44 = arith.addf %get3A_43, %broadcast_in_dim3A_32 : vector<1x1xf32>
      %swap3A_45 = arith.constant 0 : index
      %swap3A_46 = arith.constant 0 : index
      %swap3A_47 = vector.load %arg6[%swap3A_45, %swap3A_46] : memref<1x1xf32, #tpu.memory_space<vmem>>, vector<1x1xf32>
      tpu.vector_store %arg6[%swap3A_45, %swap3A_46], %add3A_44 {strides = array<i32>} : memref<1x1xf32, #tpu.memory_space<vmem>>, vector<1x1xf32>,
    } else {
    }
    return
  }
  func.func @transform_0(%arg0: i32) -> (i32, i32, i32, i32) {
    %jit3A = arith.constant 2 : i32
    %div3A = arith.divsi %arg0, %jit3A : i32
    %sign3A = arith.constant 0 : i32
    %sign3A_0 = arith.cmpi sgt, %arg0, %sign3A : i32
    %sign3A_1 = arith.extui %sign3A_0 : i1 to i32
    %sign3A_2 = arith.constant 0 : i32
    %sign3A_3 = arith.cmpi slt, %arg0, %sign3A_2 : i32
    %sign3A_4 = arith.extui %sign3A_3 : i1 to i32
    %sign3A_5 = arith.subi %sign3A_1, %sign3A_4 : i32
    %sign3A_6 = arith.constant 0 : i32
    %sign3A_7 = arith.cmpi sgt, %jit3A, %sign3A_6 : i32
    %sign3A_8 = arith.extui %sign3A_7 : i1 to i32
    %sign3A_9 = arith.constant 0 : i32
    %sign3A_10 = arith.cmpi slt, %jit3A, %sign3A_9 : i32
    %sign3A_11 = arith.extui %sign3A_10 : i1 to i32
    %sign3A_12 = arith.subi %sign3A_8, %sign3A_11 : i32
    %ne3A = arith.cmpi ne, %sign3A_5, %sign3A_12 : i32
    %rem3A = arith.remsi %arg0, %jit3A : i32
    %ne3A_13 = arith.constant 0 : i32
    %ne3A_14 = arith.cmpi ne, %rem3A, %ne3A_13 : i32
    %and3A = arith.andi %ne3A, %ne3A_14 : i1
    %sub3A = arith.constant 1 : i32
    %sub3A_15 = arith.subi %div3A, %sub3A : i32
    %select_n3A = arith.select %and3A, %sub3A_15, %div3A : i32
    %jit3A_16 = arith.constant 2 : i32
    %eq3A = arith.constant 0 : i32
    %eq3A_17 = arith.cmpi eq, %jit3A_16, %eq3A : i32
    %jit3A_18 = arith.constant 1 : i32
    %select_n3A_19 = arith.select %eq3A_17, %jit3A_18, %jit3A_16 : i32
    %rem3A_20 = arith.remsi %arg0, %select_n3A_19 : i32
    %ne3A_21 = arith.constant 0 : i32
    %ne3A_22 = arith.cmpi ne, %rem3A_20, %ne3A_21 : i32
    %lt3A = arith.constant 0 : i32
    %lt3A_23 = arith.cmpi slt, %rem3A_20, %lt3A : i32
    %lt3A_24 = arith.constant 0 : i32
    %lt3A_25 = arith.cmpi slt, %select_n3A_19, %lt3A_24 : i32
    %ne3A_26 = arith.xori %lt3A_23, %lt3A_25 : i1
    %and3A_27 = arith.andi %ne3A_26, %ne3A_22 : i1
    %add3A = arith.addi %rem3A_20, %select_n3A_19 : i32
    %select_n3A_28 = arith.select %and3A_27, %add3A, %rem3A_20 : i32
    %c0_i32 = arith.constant 0 : i32
    %c0_i32_29 = arith.constant 0 : i32
    %c0_i32_30 = arith.constant 0 : i32
    return %select_n3A, %c0_i32, %select_n3A_28, %c0_i32_29 : i32, i32, i32, i32
  }
  func.func @transform_1(%arg0: i32) -> (i32, i32) {
    %c0_i32 = arith.constant 0 : i32
    %c0_i32_0 = arith.constant 0 : i32
    %c0_i32_1 = arith.constant 0 : i32
    return %c0_i32, %c0_i32_0 : i32, i32
  }
  func.func @transform_2(%arg0: i32) -> (i32, i32) {
    %c0_i32 = arith.constant 0 : i32
    %c0_i32_0 = arith.constant 0 : i32
    return %c0_i32, %arg0 : i32, i32
  }
  func.func @transform_3(%arg0: i32) -> (i32, i32) {
    %c0_i32 = arith.constant 0 : i32
    %c0_i32_0 = arith.constant 0 : i32
    %c0_i32_1 = arith.constant 0 : i32
    return %c0_i32, %c0_i32_0 : i32, i32
  }
  func.func @transform_4(%arg0: i32) -> (i32, i32) {
    %c0_i32 = arith.constant 0 : i32
    %c0_i32_0 = arith.constant 0 : i32
    return %c0_i32, %arg0 : i32, i32
  }
  func.func @transform_5(%arg0: i32) -> (i32, i32) {
    %c0_i32 = arith.constant 0 : i32
    %c0_i32_0 = arith.constant 0 : i32
    %c0_i32_1 = arith.constant 0 : i32
    return %c0_i32, %c0_i32_0 : i32, i32
  }
}

</mosaic_0001>

<sc_bundles>
// kernel: kernel.4.cloned.1.call-start
scs
__scs_entry_jumppad:
0x0: {  	(pc) =	sbr.rel $0x88, $3  }
0x1: {  	(tag) =	ssettag $0x0;
	lr =	simm.s32 $0x1  }
0x2: {  	[smem:$0x3F9F] =	sst lr;
	_ =	strace $0xD0000000  }
0x3: {  	_ = 	snop  }
0x4: {  	_ = 	snop  }
0x5: {  	_ = 	snop  }
0x6: {  	_ = 	snop  }
0x7: {  	_ = 	snop  }
__scs_overlays_trampoline_lowered:
0x8: {  	[smem:$0x3FAE] =	sst s0  }
0x9: {  	[smem:$0x3FAF] =	sst s1  }
0xa: {  	[smem:$0x3FB0] =	sst s2  }
0xb: {  	[smem:$0x3FB1] =	sst s3  }
0xc: {  	[smem:$0x3FB2] =	sst s4  }
0xd: {  	[smem:$0x3FB3] =	sst s5  }
0xe: {  	[smem:$0x3FB4] =	sst s6  }
0xf: {  	[smem:$0x3FB5] =	sst s7  }
0x10: {  	[smem:$0x3FB6] =	sst s8  }
0x11: {  	[smem:$0x3FB7] =	sst s9;
	s0 =	simm.s32 @!p0 $0x0  }
0x12: {  	s1 =	sld [smem:$0x3F9D];
	s0 =	simm.s32 @p0 $0x1  }
0x13: {  	[smem:$0x3FB8] =	sst s0;
	s0 =	simm.s32 @!p1 $0x0  }
0x14: {  	s2 =	sld [smem:$0x3F9C];
	s0 =	simm.s32 @p1 $0x1  }
0x15: {  	[smem:$0x3FB9] =	sst s0;
	s0 =	simm.s32 @!p2 $0x0  }
0x16: {  	s3 =	sld [smem:$0x3FDB];
	s0 =	simm.s32 @p2 $0x1  }
0x17: {  	s4 =	simm.s32 $0x1BF5;
	[smem:$0x3FBB] =	sst s0  }
0x18: {  	s0 =	sld [smem:$0x3F9E];
	_ =	swait.ge [sflag:s4], $0x0  }
0x19: {  	s7 =	sld [smem:$0x3F9F]  }
0x1a: {  	s8 =	sadd.s32 $0xFFFFE003, lr  }
0x1b: {  	s9 =	sadd.s32 $0xFFFFFEF7, lr;
	s5 =	simm.s32 $0xFFFFFFFF;
	p2 =	slt.u32 s8, $0xFFFFF086  }
0x1c: {  	p1 =	slt.u32 s9, $0xF7A;
	s5 =	simm.s32 @!p2 $0x0  }
0x1d: {  	s5 =	simm.s32 @p1 $0x1;
	p0 =	seq.s32 s7, s2  }
0x1e: {  	s7 =	smul.u32 @!p0 $0xF7A, s2;
	p2 =	seq.s32 @!p0 s5, $0x0  }
0x1f: {  	s9 =	smul.u32 $0xF7A, s1;
	s8 =	simm.s32 @!p0 $0x1BF5;
	p2 =	por !p2, p0  }
0x20: {  	[sflag:s8] =	ssyncset.s32 @!p0 $0xFFFFF086;
	s6 =	sadd.s32 @!p0 s3, s7;
	s7 =	simm.s32 @!p0 $0x108  }
0x21: {  	s3 =	sadd.s32 s3, s9;
	s6 =	sadd.s32 @!p0 $0x88, s6;
	s7 =	simm.s32 @p2 $0x1082  }
0x22: {  	[simem:s7], [sflag:s8] =	dma.local @!p0 [hbm:s6], $0xF7A  }
0x23: {  	s9 =	sor.u32 $0xD0000000, s2;
	s6 =	simm.s32 $0x108;
	_ =	swait.ge @!p0 [sflag:s8], $0x0  }
0x24: {  	s3 =	sadd.s32 $0x88, s3;
	s6 =	simm.s32 @!p1 $0x1082;
	[sflag:s4] =	ssyncset.s32 $0xFFFFF086  }
0x25: {  	[simem:s6], [sflag:s4] =	dma.local [hbm:s3], $0xF7A  }
0x26: {  	[smem:$0x3F9F] =	sst s1;
	(tag) =	ssettag s2;
	_ =	strace s9  }
0x27: {  	s1 =	sld [smem:$0x3FAF]  }
0x28: {  	s2 =	sld [smem:$0x3FB0]  }
0x29: {  	s4 =	sld [smem:$0x3FB2]  }
0x2a: {  	p0 =	seq.s32 s5, $0x0;
	s5 =	sld [smem:$0x3FB3]  }
0x2b: {  	s6 =	sld [smem:$0x3FB4]  }
0x2c: {  	s7 =	sld [smem:$0x3FB5]  }
0x2d: {  	s3 =	simm.s32 $0x108;
	s8 =	sld [smem:$0x3FB6]  }
0x2e: {  	s3 =	simm.s32 @!p0 $0x1082;
	s9 =	sld [smem:$0x3FB7]  }
0x2f: {  	lr =	sadd.s32 s0, s3;
	s0 =	sld [smem:$0x3FAE]  }
0x30: {  	s3 =	sld [smem:$0x3FB1]  }
0x31: {  	[smem:$0x3FBA] =	sst s10  }
0x32: {  	s10 =	sld [smem:$0x3FB8];
	_ =	sdelay $0x3  }
0x33: {  	p0 =	seq.s32 s10, $0x1;
	s10 =	sld [smem:$0x3FBA];
	_ =	sdelay $0x3  }
0x34: {  	[smem:$0x3FBA] =	sst s10  }
0x35: {  	s10 =	sld [smem:$0x3FB9];
	_ =	sdelay $0x3  }
0x36: {  	p1 =	seq.s32 s10, $0x1;
	s10 =	sld [smem:$0x3FBA];
	_ =	sdelay $0x3  }
0x37: {  	[smem:$0x3FBA] =	sst s10  }
0x38: {  	s10 =	sld [smem:$0x3FBB]  }
0x39: {  	_ = 	snop;
	(pc) =	sbr.ind lr, $3  }
0x3a: {  	_ = 	snop  }
0x3b: {  	_ = 	snop  }
0x3c: {  	p2 =	seq.s32 s10, $0x1;
	s10 =	sld [smem:$0x3FBA]  }
0x3d: {  	_ =	shalt  }
0x3e: {  	_ =	shalt  }
0x3f: {  	_ =	shalt  }
0x40: {  	_ =	shalt  }
0x41: {  	_ =	shalt  }
0x42: {  	_ =	shalt  }
0x43: {  	_ =	shalt  }
0x44: {  	_ =	shalt  }
0x45: {  	_ =	shalt  }
0x46: {  	_ =	shalt  }
0x47: {  	_ =	shalt  }
0x48: {  	_ =	shalt  }
0x49: {  	_ =	shalt  }
0x4a: {  	_ =	shalt  }
0x4b: {  	_ =	shalt  }
0x4c: {  	_ =	shalt  }
0x4d: {  	_ =	shalt  }
0x4e: {  	_ =	shalt  }
0x4f: {  	_ =	shalt  }
0x50: {  	_ =	shalt  }
0x51: {  	_ =	shalt  }
0x52: {  	_ =	shalt  }
0x53: {  	_ =	shalt  }
0x54: {  	_ =	shalt  }
0x55: {  	_ =	shalt  }
0x56: {  	_ =	shalt  }
0x57: {  	_ =	shalt  }
0x58: {  	_ =	shalt  }
0x59: {  	_ =	shalt  }
0x5a: {  	_ =	shalt  }
0x5b: {  	_ =	shalt  }
0x5c: {  	_ =	shalt  }
0x5d: {  	_ =	shalt  }
0x5e: {  	_ =	shalt  }
0x5f: {  	_ =	shalt  }
0x60: {  	_ =	shalt  }
0x61: {  	_ =	shalt  }
0x62: {  	_ =	shalt  }
0x63: {  	_ =	shalt  }
0x64: {  	_ =	shalt  }
0x65: {  	_ =	shalt  }
0x66: {  	_ =	shalt  }
0x67: {  	_ =	shalt  }
0x68: {  	_ =	shalt  }
0x69: {  	_ =	shalt  }
0x6a: {  	_ =	shalt  }
0x6b: {  	_ =	shalt  }
0x6c: {  	_ =	shalt  }
0x6d: {  	_ =	shalt  }
0x6e: {  	_ =	shalt  }
0x6f: {  	_ =	shalt  }
0x70: {  	_ =	shalt  }
0x71: {  	_ =	shalt  }
0x72: {  	_ =	shalt  }
0x73: {  	_ =	shalt  }
0x74: {  	_ =	shalt  }
0x75: {  	_ =	shalt  }
0x76: {  	_ =	shalt  }
0x77: {  	_ =	shalt  }
0x78: {  	_ =	shalt  }
0x79: {  	_ =	shalt  }
0x7a: {  	_ =	shalt  }
0x7b: {  	_ =	shalt  }
0x7c: {  	_ =	shalt  }
0x7d: {  	_ =	shalt  }
0x7e: {  	_ =	shalt  }
0x7f: {  	_ =	shalt  }
0x80: {  	_ =	shalt  }
0x81: {  	_ =	shalt  }
0x82: {  	_ =	shalt  }
0x83: {  	_ =	shalt  }
0x84: {  	_ =	shalt  }
0x85: {  	_ =	shalt  }
0x86: {  	_ =	shalt  }
0x87: {  	_ =	shalt  }
.Lfunc_end0:
.L_simem_size_0:
called_computation_lowered:
.L_overlay_start_0:
0x88: {  	s2 =	sld [smem:$0x3FD9]  }
0x89: {  	s3 =	sld [smem:$0x3FFE];
	_ =	sdelay $0x1  }
0x8a: {  	s1 =	srdreg.scid  }
0x8b: {  	s0 =	sand.u32 $0x1, s1  }
0x8c: {  	s14 =	sshll.u32 s0, $0xA;
	s2 =	sadd.s32 s3, s2  }
0x8d: {  	s2 =	sadd.s32 s2, s14  }
0x8e: {  	[smem:$0x3FC6] =	sst s2  }
0x8f: {  	_ = 	snop  }
0x90: {  	s2 =	sld [smem:$0x3FD0];
	_ =	sdelay $0x2  }
0x91: {  	s15 =	simm.s32 $0xA;
	s4 =	simm.s32 $0x10  }
0x92: {  	[smem:s4], [sflag:s15] =	dma.local [hbm:s2], $0x1  }
0x93: {  	_ =	swait.eq [sflag:s15], $0x1  }
0x94: {  	[sflag:s15] =	ssyncset.done $0x0  }
0x95: {  	[sflag:s15] =	ssyncadd.s32 $0xFFFFFFFF  }
0x96: {  	s16 =	sld [smem:$0x10];
	(tm) =	ssettm $0x1  }
0x97: {  	s17 =	sld [smem:$0x3FFB];
	_ =	sdelay $0x3  }
0x98: {  	_ =	strace s17  }
0x99: {  	s3 =	sld [smem:$0x3FFC];
	_ =	sdelay $0x3  }
0x9a: {  	_ =	strace s3  }
0x9b: {  	s3 =	sld [smem:$0x3FFD];
	_ =	sdelay $0x3  }
0x9c: {  	_ =	strace s3  }
0x9d: {  	_ =	strace $0x8FFFFFFF  }
0x9e: {  	s18 =	sld [smem:$0x3FDB];
	_ =	sdelay $0x1  }
0x9f: {  	s19 =	simm.s32 $_scs_section_size  }
0xa0: {  	s5 =	simm.s32 $_size__tile_overlayer_lowered;
	s6 =	simm.s32 $_tile_overlayer_lowered  }
0xa1: {  	s22 =	simm.s32 $0x1BFF;
	s21 =	sshll.u32 s6, $0x1;
	s3 =	sadd.s32 s19, s18  }
0xa2: {  	s7 =	simm.s32 $0x0;
	s20 =	sshll.u32 s5, $0x1;
	s5 =	sadd.s32 s21, s3  }
0xa3: {  	[timem:s7], [sflag:s22] =	dma.local [hbm:s5], s20  }
0xa4: {  	_ =	swait.ge [sflag:s22], s20  }
0xa5: {  	s4 =	ssub.s32 $0x0, s20;
	[sflag:s22] =	ssyncset.done $0x0  }
0xa6: {  	[sflag:s22] =	ssyncadd.s32 s4;
	_ =	sdelay $0x1  }
0xa7: {  	s23 =	simm.s32 $0x1B8B  }
0xa8: {  	_ =	swait.ge [sflag:s23], $0x1  }
0xa9: {  	[sflag:s23] =	ssyncset.done $0x0  }
0xaa: {  	s25 =	simm.s32 $0x1B8E;
	s24 =	sld [smem:$0x3FFE];
	[sflag:s23] =	ssyncadd.s32 $0xFFFFFFFF  }
0xab: {  	s26 =	simm.s32 $execute0_lowered;
	[smem:$0x3FD2] =	sst s25  }
0xac: {  	s5 =	sshll.u32 s26, $0x1;
	_ =	strace $0x80000046;
	[dreg:$0x1] =	wrdreg $0xFFFFFFFF  }
0xad: {  	s28 =	simm.s32 $_size_execute0_lowered;
	s3 =	sadd.s32 s3, s5;
	[dreg:$0x0] =	wrdreg $0x0  }
0xae: {  	s5 =	sshll.u32 s28, $0x1;
	[dreg:$0x2] =	wrdreg s3  }
0xaf: {  	[dreg:$0x3] =	wrdreg s5  }
0xb0: {  	[dreg:$0x4] =	wrdreg $0xC0  }
0xb1: {  	_ =	task [dreg:s7], $0x5FFFF  }
0xb2: {  	[dreg:$0x1] =	wrdreg $0xFFFFFFFF  }
0xb3: {  	[dreg:$0x0] =	wrdreg $0x60  }
0xb4: {  	[dreg:$0x2] =	wrdreg s24  }
0xb5: {  	[dreg:$0x3] =	wrdreg s16  }
0xb6: {  	[dreg:$0x4] =	wrdreg $0x9  }
0xb7: {  	_ =	task.clear_ibuf [dreg:s7], $0x5FFFF;
	_ =	strace $0x90000046  }
0xb8: {  	s29 =	simm.s32 $0x9;
	_ =	strace $0x80000048  }
0xb9: {  	_ =	swait.ge [sflag:s29], $0x1  }
0xba: {  	[sflag:s29] =	ssyncadd.s32 $0xFFFFFFFF  }
0xbb: {  	_ =	strace $0x90000048  }
0xbc: {  	_ =	sfence  }
0xbd: {  	s30 =	sld [smem:$0x0];
	_ =	sdelay $0x2  }
0xbe: {  	s31 =	sshll.u32 s1, $0xD;
	s1 =	sshrl.u32 s1, $0x2  }
0xbf: {  	s3 =	sand.u32 $0x4000, s31;
	s1 =	sadd.s32 s1, s30  }
0xc0: {  	s0 =	sor.u32 s3, s0;
	s1 =	sshll.u32 s1, $0x11  }
0xc1: {  	s0 =	sor.u32 s1, s0  }
0xc2: {  	s0 =	sadd.s32 $0x8F2B, s0  }
0xc3: {  	[sflag:s0] =	ssyncadd.remote.s32 $0x1  }
0xc4: {  	_ =	sfence.sel $0xFFFF  }
0xc5: {  	[dreg:$0x0] =	wrdreg $0xFFFFFFFF;
	(pc) =	sbr.abs _section_cstart, $3  }
0xc6: {  	[dreg:$0x1] =	wrdreg $0xFFFFFFFF  }
0xc7: {  	_ =	task.clear_ibuf [dreg:s7], $0x2FFFF;
	_ =	strace $0x9FFFFFFF  }
0xc8: {  	(tm) =	ssettm $0x7FFFFFFF  }
0xc9: {  	_ =	shalt  }
tec
execute0_lowered:
.L_overlay_start_1:
0x0: {  	(tag) =	ssettag $0x1  }
0x1: {  	s2 =	rddreg [dreg:$0x0]  }
0x2: {  	s5 =	rddreg [dreg:$0x1]  }
0x3: {  	s0 =	rddreg [dreg:$0x2];
	s4 =	srdreg.scid  }
0x4: {  	s1 =	stileid.u32;
	s3 =	simm.s32 $0x0;
	s10 =	simm.s32 $0x400  }
0x5: {  	s11 =	simm.s32 $0x1000;
	s12 =	simm.s32 $0x8100;
	s13 =	simm.s32 $0x0  }
0x6: {  	s4 =	sand.u32 $0x1, s4;
	s6 =	sshll.u32 s1, $0x1;
	[smem:$0x7FF] =	sst s3  }
0x7: {  	s9 =	sshll.u32 s1, $0xD;
	s6 =	sor.u32 s4, s6;
	_ =	strace $0x80000047  }
0x8: {  	s4 =	ssub.s32 $0x2, s4;
	s9 =	sand.u32 $0x1C000, s9;
	s7 =	sshll.u32 s6, $0x5  }
0x9: {  	s8 =	sshrl.u32 s4, $0x1;
	s6 =	sshll.u32 s6, $0x7;
	s5 =	sadd.s32 s5, s9  }
0xa: {  	s9 =	simm.s32 $0x1;
	s7 =	sadd.s32 s7, s2;
	s6 =	sand.u32 $0x180, s6  }
0xb: {  	v0 =	vlaneseq.u32;
	s8 =	ssub.s32 s4, s8;
	s4 =	sadd.s32 $0x20000, s7;
	s5 =	sadd.s32 s6, s5  }
0xc: {  	v0 =	vmul.u32 $0x80, v0;
	s6 =	smax.u32 s8, $0x1;
	s7 =	simm.s32 $0x2;
	s8 =	simm.s32 $0x100  }
.LBB2_1:
0xd: {  	[tilespmem:s3], [sflag:$0x2] =	stream.linear.gather [hbm4b:s4+s3], $0x100, $0x38;
	[tilespmem:$0x10100] =	vst v63  }
0xe: {  	v1 =	vmov s3;
	_ =	swait.ge [sflag:s7], $0x100  }
0xf: {  	v1 =	vshll.u32 v1, $0x7;
	[sflag:s7] =	ssyncset.done $0x0  }
0x10: {  	v7 =	vor.u32 v0, v1;
	[sflag:s7] =	ssyncadd.s32 $0xFFFFFF00  }
0x11: {  	[tilespmem:s8], [sflag:$0x1] =	stream.indirect.gather [hbm4b:s2+s8], $0x80, s3, s8, $0xb8;
	[tilespmem:$0x10100] =	vst v63  }
0x12: {  	_ =	swait.ge [sflag:s9], $0x8000  }
0x13: {  	[sflag:s9] =	ssyncset.done $0x0  }
0x14: {  	[sflag:s9] =	ssyncadd.s32 $0xFFFF8000  }
0x15: {  	v1 =	vld.idx.msk [tilespmem:v7+s8+$0x0], $0xffff  }
0x16: {  	v2 =	vor.u32 $0x1, v7;
	_ =	sdelay $0x1  }
0x17: {  	s14 =	sand.u32 $0x10, s3;
	s15 =	sand.u32 $0x380, s3  }
0x18: {  	s18 =	sor.u32 s14, s15  }
0x19: {  	[tilespmem:s18+$0x8100] =	vst v1  }
0x1a: {  	v1 =	vld.idx.msk [tilespmem:v2+s8+$0x0], $0xffff  }
0x1b: {  	v2 =	vor.u32 $0x2, v7;
	_ =	sdelay $0x3  }
0x1c: {  	[tilespmem:s18+$0x8500] =	vst v1  }
0x1d: {  	v1 =	vld.idx.msk [tilespmem:v2+s8+$0x0], $0xffff  }
0x1e: {  	v2 =	vor.u32 $0x3, v7;
	_ =	sdelay $0x3  }
0x1f: {  	[tilespmem:s18+$0x8900] =	vst v1  }
0x20: {  	v1 =	vld.idx.msk [tilespmem:v2+s8+$0x0], $0xffff  }
0x21: {  	s24 =	simm.s32 $0x10;
	v2 =	vor.u32 $0x4, v7  }
0x22: {  	v3 =	vmov s24  }
0x23: {  	v3 =	vshll.u32 v3, $0x7  }
0x24: {  	v3 =	vor.u32 v0, v3  }
0x25: {  	[tilespmem:s18+$0x8D00] =	vst v1  }
0x26: {  	v1 =	vld.idx.msk [tilespmem:v2+s8+$0x0], $0xffff  }
0x27: {  	v2 =	vor.u32 $0x5, v7;
	_ =	sdelay $0x1  }
0x28: {  	v4 =	vld.idx.msk [tilespmem:v3+s8+$0x0], $0xffff  }
0x29: {  	v5 =	vor.u32 $0x1, v3  }
0x2a: {  	s25 =	simm.s32 $0x40;
	[tilespmem:s18+$0x9100] =	vst v1  }
0x2b: {  	s14 =	sand.u32 $0x10, s24;
	s15 =	sand.u32 $0x380, s25;
	v1 =	vld.idx.msk [tilespmem:v2+s8+$0x0], $0xffff  }
0x2c: {  	s15 =	sor.u32 s14, s15;
	v2 =	vor.u32 $0x6, v7  }
0x2d: {  	[tilespmem:s15+$0x8100] =	vst v4  }
0x2e: {  	v4 =	vld.idx.msk [tilespmem:v5+s8+$0x0], $0xffff  }
0x2f: {  	v5 =	vor.u32 $0x2, v3  }
0x30: {  	[tilespmem:s18+$0x9500] =	vst v1  }
0x31: {  	v1 =	vld.idx.msk [tilespmem:v2+s8+$0x0], $0xffff  }
0x32: {  	v2 =	vor.u32 $0x7, v7  }
0x33: {  	[tilespmem:s15+$0x8500] =	vst v4  }
0x34: {  	v4 =	vld.idx.msk [tilespmem:v5+s8+$0x0], $0xffff  }
0x35: {  	v5 =	vor.u32 $0x3, v3  }
0x36: {  	[tilespmem:s18+$0x9900] =	vst v1  }
0x37: {  	v1 =	vld.idx.msk [tilespmem:v2+s8+$0x0], $0xffff  }
0x38: {  	v2 =	vor.u32 $0x8, v7  }
0x39: {  	[tilespmem:s15+$0x8900] =	vst v4  }
0x3a: {  	v4 =	vld.idx.msk [tilespmem:v5+s8+$0x0], $0xffff  }
0x3b: {  	v5 =	vor.u32 $0x4, v3  }
0x3c: {  	s26 =	simm.s32 $0x20;
	[tilespmem:s18+$0x9D00] =	vst v1  }
0x3d: {  	v1 =	vmov s26;
	v2 =	vld.idx.msk [tilespmem:v2+s8+$0x0], $0xffff  }
0x3e: {  	v6 =	vor.u32 $0x9, v7;
	v1 =	vshll.u32 v1, $0x7  }
0x3f: {  	[tilespmem:s15+$0x8D00] =	vst v4;
	v1 =	vor.u32 v0, v1  }
0x40: {  	v4 =	vld.idx.msk [tilespmem:v5+s8+$0x0], $0xffff  }
0x41: {  	v5 =	vor.u32 $0x5, v3  }
0x42: {  	[tilespmem:s18+$0xA100] =	vst v2  }
0x43: {  	v2 =	vld.idx.msk [tilespmem:v6+s8+$0x0], $0xffff  }
0x44: {  	v8 =	vor.u32 $0xA, v7;
	v6 =	vld.idx.msk [tilespmem:v1+s8+$0x0], $0xffff  }
0x45: {  	[tilespmem:s15+$0x9100] =	vst v4;
	v9 =	vor.u32 $0x1, v1  }
0x46: {  	s16 =	simm.s32 $0x80;
	v4 =	vld.idx.msk [tilespmem:v5+s8+$0x0], $0xffff  }
0x47: {  	s16 =	sand.u32 $0x380, s16;
	s14 =	sand.u32 $0x10, s26;
	v5 =	vor.u32 $0x6, v3  }
0x48: {  	s14 =	sor.u32 s14, s16;
	[tilespmem:s18+$0xA500] =	vst v2  }
0x49: {  	[tilespmem:s14+$0x8100] =	vst v6;
	v2 =	vld.idx.msk [tilespmem:v8+s8+$0x0], $0xffff  }
0x4a: {  	v6 =	vld.idx.msk [tilespmem:v9+s8+$0x0], $0xffff;
	v8 =	vor.u32 $0xB, v7  }
0x4b: {  	[tilespmem:s15+$0x9500] =	vst v4;
	v9 =	vor.u32 $0x2, v1  }
0x4c: {  	v4 =	vld.idx.msk [tilespmem:v5+s8+$0x0], $0xffff  }
0x4d: {  	v5 =	vor.u32 $0x7, v3  }
0x4e: {  	[tilespmem:s18+$0xA900] =	vst v2  }
0x4f: {  	[tilespmem:s14+$0x8500] =	vst v6;
	v2 =	vld.idx.msk [tilespmem:v8+s8+$0x0], $0xffff  }
0x50: {  	v6 =	vld.idx.msk [tilespmem:v9+s8+$0x0], $0xffff;
	v8 =	vor.u32 $0xC, v7  }
0x51: {  	[tilespmem:s15+$0x9900] =	vst v4;
	v9 =	vor.u32 $0x3, v1  }
0x52: {  	v4 =	vld.idx.msk [tilespmem:v5+s8+$0x0], $0xffff  }
0x53: {  	v5 =	vor.u32 $0x8, v3  }
0x54: {  	[tilespmem:s18+$0xAD00] =	vst v2  }
0x55: {  	[tilespmem:s14+$0x8900] =	vst v6;
	v2 =	vld.idx.msk [tilespmem:v8+s8+$0x0], $0xffff  }
0x56: {  	v6 =	vld.idx.msk [tilespmem:v9+s8+$0x0], $0xffff;
	v8 =	vor.u32 $0xD, v7  }
0x57: {  	s28 =	simm.s32 $0x30;
	[tilespmem:s15+$0x9D00] =	vst v4;
	v9 =	vor.u32 $0x4, v1  }
0x58: {  	v4 =	vld.idx.msk [tilespmem:v5+s8+$0x0], $0xffff;
	v5 =	vmov s28  }
0x59: {  	v10 =	vor.u32 $0x9, v3;
	v5 =	vshll.u32 v5, $0x7  }
0x5a: {  	[tilespmem:s18+$0xB100] =	vst v2;
	v2 =	vor.u32 v0, v5  }
0x5b: {  	[tilespmem:s14+$0x8D00] =	vst v6;
	v5 =	vld.idx.msk [tilespmem:v8+s8+$0x0], $0xffff  }
0x5c: {  	v6 =	vld.idx.msk [tilespmem:v9+s8+$0x0], $0xffff;
	v8 =	vor.u32 $0xE, v7  }
0x5d: {  	[tilespmem:s15+$0xA100] =	vst v4;
	v9 =	vor.u32 $0x5, v1  }
0x5e: {  	v4 =	vld.idx.msk [tilespmem:v10+s8+$0x0], $0xffff  }
0x5f: {  	v11 =	vor.u32 $0xA, v3;
	v10 =	vld.idx.msk [tilespmem:v2+s8+$0x0], $0xffff  }
0x60: {  	[tilespmem:s18+$0xB500] =	vst v5;
	v5 =	vor.u32 $0x1, v2  }
0x61: {  	s17 =	simm.s32 $0xC0;
	[tilespmem:s14+$0x9100] =	vst v6;
	v6 =	vld.idx.msk [tilespmem:v8+s8+$0x0], $0xffff  }
0x62: {  	s17 =	sand.u32 $0x380, s17;
	s16 =	sand.u32 $0x10, s28;
	v8 =	vld.idx.msk [tilespmem:v9+s8+$0x0], $0xffff;
	v9 =	vor.u32 $0xF, v7  }
0x63: {  	s16 =	sor.u32 s16, s17;
	v12 =	vor.u32 $0x6, v1;
	[tilespmem:s15+$0xA500] =	vst v4  }
0x64: {  	v4 =	vld.idx.msk [tilespmem:v11+s8+$0x0], $0xffff;
	[tilespmem:s16+$0x8100] =	vst v10  }
0x65: {  	v10 =	vor.u32 $0xB, v3;
	v5 =	vld.idx.msk [tilespmem:v5+s8+$0x0], $0xffff  }
0x66: {  	[tilespmem:s18+$0xB900] =	vst v6;
	v6 =	vor.u32 $0x2, v2  }
0x67: {  	[tilespmem:s14+$0x9500] =	vst v8;
	v8 =	vld.idx.msk [tilespmem:v9+s8+$0x0], $0xffff  }
0x68: {  	v11 =	vor.u32 $0x10, v7;
	v9 =	vld.idx.msk [tilespmem:v12+s8+$0x0], $0xffff  }
0x69: {  	[tilespmem:s15+$0xA900] =	vst v4;
	v12 =	vor.u32 $0x7, v1  }
0x6a: {  	v4 =	vld.idx.msk [tilespmem:v10+s8+$0x0], $0xffff;
	[tilespmem:s16+$0x8500] =	vst v5  }
0x6b: {  	v5 =	vld.idx.msk [tilespmem:v6+s8+$0x0], $0xffff;
	v6 =	vor.u32 $0xC, v3  }
0x6c: {  	[tilespmem:s18+$0xBD00] =	vst v8;
	v8 =	vor.u32 $0x3, v2  }
0x6d: {  	[tilespmem:s14+$0x9900] =	vst v9;
	v9 =	vld.idx.msk [tilespmem:v11+s8+$0x0], $0xffff  }
0x6e: {  	v10 =	vld.idx.msk [tilespmem:v12+s8+$0x0], $0xffff;
	v11 =	vor.u32 $0x11, v7  }
0x6f: {  	v12 =	vor.u32 $0x8, v1;
	[tilespmem:s15+$0xAD00] =	vst v4  }
0x70: {  	[tilespmem:s16+$0x8900] =	vst v5;
	v4 =	vld.idx.msk [tilespmem:v6+s8+$0x0], $0xffff  }
0x71: {  	v6 =	vor.u32 $0xD, v3;
	v5 =	vld.idx.msk [tilespmem:v8+s8+$0x0], $0xffff  }
0x72: {  	v8 =	vor.u32 $0x4, v2;
	[tilespmem:s18+$0xC100] =	vst v9  }
0x73: {  	s29 =	simm.s32 $0x40;
	[tilespmem:s14+$0x9D00] =	vst v10;
	v9 =	vld.idx.msk [tilespmem:v11+s8+$0x0], $0xffff  }
0x74: {  	v10 =	vld.idx.msk [tilespmem:v12+s8+$0x0], $0xffff;
	v11 =	vmov s29;
	v12 =	vor.u32 $0x12, v7  }
0x75: {  	v13 =	vor.u32 $0x9, v1;
	v11 =	vshll.u32 v11, $0x7;
	[tilespmem:s15+$0xB100] =	vst v4  }
0x76: {  	v4 =	vor.u32 v0, v11;
	[tilespmem:s16+$0x8D00] =	vst v5;
	v5 =	vld.idx.msk [tilespmem:v6+s8+$0x0], $0xffff  }
0x77: {  	v6 =	vld.idx.msk [tilespmem:v8+s8+$0x0], $0xffff;
	v8 =	vor.u32 $0xE, v3  }
0x78: {  	[tilespmem:s18+$0xC500] =	vst v9;
	v9 =	vor.u32 $0x5, v2  }
0x79: {  	[tilespmem:s14+$0xA100] =	vst v10;
	v10 =	vld.idx.msk [tilespmem:v12+s8+$0x0], $0xffff  }
0x7a: {  	v11 =	vld.idx.msk [tilespmem:v13+s8+$0x0], $0xffff;
	v12 =	vor.u32 $0x13, v7  }
0x7b: {  	v14 =	vor.u32 $0xA, v1;
	v13 =	vld.idx.msk [tilespmem:v4+s8+$0x0], $0xffff;
	[tilespmem:s15+$0xB500] =	vst v5  }
0x7c: {  	v5 =	vor.u32 $0x1, v4;
	[tilespmem:s16+$0x9100] =	vst v6;
	v6 =	vld.idx.msk [tilespmem:v8+s8+$0x0], $0xffff  }
0x7d: {  	s19 =	simm.s32 $0x100;
	v8 =	vld.idx.msk [tilespmem:v9+s8+$0x0], $0xffff;
	v9 =	vor.u32 $0xF, v3  }
0x7e: {  	s19 =	sand.u32 $0x380, s19;
	s17 =	sand.u32 $0x10, s29;
	[tilespmem:s18+$0xC900] =	vst v10;
	v10 =	vor.u32 $0x6, v2  }
0x7f: {  	s17 =	sor.u32 s17, s19;
	[tilespmem:s14+$0xA500] =	vst v11;
	v11 =	vld.idx.msk [tilespmem:v12+s8+$0x0], $0xffff  }
0x80: {  	[tilespmem:s17+$0x8100] =	vst v13;
	v12 =	vld.idx.msk [tilespmem:v14+s8+$0x0], $0xffff;
	v13 =	vor.u32 $0x14, v7  }
0x81: {  	v14 =	vor.u32 $0xB, v1;
	v5 =	vld.idx.msk [tilespmem:v5+s8+$0x0], $0xffff;
	[tilespmem:s15+$0xB900] =	vst v6  }
0x82: {  	v6 =	vor.u32 $0x2, v4;
	[tilespmem:s16+$0x9500] =	vst v8;
	v8 =	vld.idx.msk [tilespmem:v9+s8+$0x0], $0xffff  }
0x83: {  	v9 =	vld.idx.msk [tilespmem:v10+s8+$0x0], $0xffff;
	v10 =	vor.u32 $0x10, v3  }
0x84: {  	[tilespmem:s18+$0xCD00] =	vst v11;
	v11 =	vor.u32 $0x7, v2  }
0x85: {  	[tilespmem:s14+$0xA900] =	vst v12;
	v12 =	vld.idx.msk [tilespmem:v13+s8+$0x0], $0xffff  }
0x86: {  	[tilespmem:s17+$0x8500] =	vst v5;
	v5 =	vld.idx.msk [tilespmem:v14+s8+$0x0], $0xffff;
	v13 =	vor.u32 $0x15, v7  }
0x87: {  	v14 =	vor.u32 $0xC, v1;
	v6 =	vld.idx.msk [tilespmem:v6+s8+$0x0], $0xffff;
	[tilespmem:s15+$0xBD00] =	vst v8  }
0x88: {  	v8 =	vor.u32 $0x3, v4;
	[tilespmem:s16+$0x9900] =	vst v9;
	v9 =	vld.idx.msk [tilespmem:v10+s8+$0x0], $0xffff  }
0x89: {  	v10 =	vld.idx.msk [tilespmem:v11+s8+$0x0], $0xffff;
	v11 =	vor.u32 $0x11, v3  }
0x8a: {  	[tilespmem:s18+$0xD100] =	vst v12;
	v12 =	vor.u32 $0x8, v2  }
0x8b: {  	[tilespmem:s14+$0xAD00] =	vst v5;
	v5 =	vld.idx.msk [tilespmem:v13+s8+$0x0], $0xffff  }
0x8c: {  	[tilespmem:s17+$0x8900] =	vst v6;
	v6 =	vld.idx.msk [tilespmem:v14+s8+$0x0], $0xffff;
	v13 =	vor.u32 $0x16, v7  }
0x8d: {  	v14 =	vor.u32 $0xD, v1;
	v8 =	vld.idx.msk [tilespmem:v8+s8+$0x0], $0xffff;
	[tilespmem:s15+$0xC100] =	vst v9  }
0x8e: {  	s30 =	simm.s32 $0x50;
	v9 =	vor.u32 $0x4, v4;
	[tilespmem:s16+$0x9D00] =	vst v10;
	v10 =	vld.idx.msk [tilespmem:v11+s8+$0x0], $0xffff  }
0x8f: {  	v15 =	vor.u32 $0x12, v3;
	v11 =	vld.idx.msk [tilespmem:v12+s8+$0x0], $0xffff;
	v12 =	vmov s30  }
0x90: {  	[tilespmem:s18+$0xD500] =	vst v5;
	v5 =	vshll.u32 v12, $0x7;
	v12 =	vor.u32 $0x9, v2  }
0x91: {  	[tilespmem:s14+$0xB100] =	vst v6;
	v6 =	vld.idx.msk [tilespmem:v13+s8+$0x0], $0xffff;
	v5 =	vor.u32 v0, v5  }
0x92: {  	[tilespmem:s17+$0x8D00] =	vst v8;
	v8 =	vld.idx.msk [tilespmem:v14+s8+$0x0], $0xffff;
	v13 =	vor.u32 $0x17, v7  }
0x93: {  	v14 =	vor.u32 $0xE, v1;
	v9 =	vld.idx.msk [tilespmem:v9+s8+$0x0], $0xffff;
	[tilespmem:s15+$0xC500] =	vst v10  }
0x94: {  	v10 =	vor.u32 $0x5, v4;
	[tilespmem:s16+$0xA100] =	vst v11;
	v11 =	vld.idx.msk [tilespmem:v15+s8+$0x0], $0xffff  }
0x95: {  	v15 =	vor.u32 $0x13, v3;
	v12 =	vld.idx.msk [tilespmem:v12+s8+$0x0], $0xffff  }
0x96: {  	v16 =	vld.idx.msk [tilespmem:v5+s8+$0x0], $0xffff;
	[tilespmem:s18+$0xD900] =	vst v6;
	v6 =	vor.u32 $0xA, v2  }
0x97: {  	[tilespmem:s14+$0xB500] =	vst v8;
	v8 =	vld.idx.msk [tilespmem:v13+s8+$0x0], $0xffff;
	v13 =	vor.u32 $0x1, v5  }
0x98: {  	s20 =	simm.s32 $0x140;
	[tilespmem:s17+$0x9100] =	vst v9;
	v9 =	vld.idx.msk [tilespmem:v14+s8+$0x0], $0xffff;
	v14 =	vor.u32 $0x18, v7  }
0x99: {  	s20 =	sand.u32 $0x380, s20;
	s19 =	sand.u32 $0x10, s30;
	v17 =	vor.u32 $0xF, v1;
	v10 =	vld.idx.msk [tilespmem:v10+s8+$0x0], $0xffff;
	[tilespmem:s15+$0xC900] =	vst v11  }
0x9a: {  	s19 =	sor.u32 s19, s20;
	v11 =	vor.u32 $0x6, v4;
	[tilespmem:s16+$0xA500] =	vst v12;
	v12 =	vld.idx.msk [tilespmem:v15+s8+$0x0], $0xffff  }
0x9b: {  	v15 =	vor.u32 $0x14, v3;
	[tilespmem:s19+$0x8100] =	vst v16;
	v6 =	vld.idx.msk [tilespmem:v6+s8+$0x0], $0xffff  }
0x9c: {  	v13 =	vld.idx.msk [tilespmem:v13+s8+$0x0], $0xffff;
	[tilespmem:s18+$0xDD00] =	vst v8;
	v8 =	vor.u32 $0xB, v2  }
0x9d: {  	[tilespmem:s14+$0xB900] =	vst v9;
	v9 =	vld.idx.msk [tilespmem:v14+s8+$0x0], $0xffff;
	v14 =	vor.u32 $0x2, v5  }
0x9e: {  	v16 =	vor.u32 $0x19, v7;
	[tilespmem:s17+$0x9500] =	vst v10;
	v10 =	vld.idx.msk [tilespmem:v17+s8+$0x0], $0xffff  }
0x9f: {  	v17 =	vor.u32 $0x10, v1;
	v11 =	vld.idx.msk [tilespmem:v11+s8+$0x0], $0xffff;
	[tilespmem:s15+$0xCD00] =	vst v12  }
0xa0: {  	v12 =	vor.u32 $0x7, v4;
	[tilespmem:s16+$0xA900] =	vst v6;
	v6 =	vld.idx.msk [tilespmem:v15+s8+$0x0], $0xffff  }
0xa1: {  	[tilespmem:s19+$0x8500] =	vst v13;
	v8 =	vld.idx.msk [tilespmem:v8+s8+$0x0], $0xffff;
	v13 =	vor.u32 $0x15, v3  }
0xa2: {  	v14 =	vld.idx.msk [tilespmem:v14+s8+$0x0], $0xffff;
	[tilespmem:s18+$0xE100] =	vst v9;
	v9 =	vor.u32 $0xC, v2  }
0xa3: {  	v15 =	vor.u32 $0x3, v5;
	[tilespmem:s14+$0xBD00] =	vst v10;
	v10 =	vld.idx.msk [tilespmem:v16+s8+$0x0], $0xffff  }
0xa4: {  	[tilespmem:s17+$0x9900] =	vst v11;
	v11 =	vld.idx.msk [tilespmem:v17+s8+$0x0], $0xffff;
	v16 =	vor.u32 $0x1A, v7  }
0xa5: {  	v17 =	vor.u32 $0x11, v1;
	v12 =	vld.idx.msk [tilespmem:v12+s8+$0x0], $0xffff;
	[tilespmem:s15+$0xD100] =	vst v6  }
0xa6: {  	v6 =	vor.u32 $0x8, v4;
	[tilespmem:s16+$0xAD00] =	vst v8;
	v8 =	vld.idx.msk [tilespmem:v13+s8+$0x0], $0xffff  }
0xa7: {  	v13 =	vor.u32 $0x16, v3;
	[tilespmem:s19+$0x8900] =	vst v14;
	v9 =	vld.idx.msk [tilespmem:v9+s8+$0x0], $0xffff  }
0xa8: {  	v14 =	vld.idx.msk [tilespmem:v15+s8+$0x0], $0xffff;
	[tilespmem:s18+$0xE500] =	vst v10;
	v10 =	vor.u32 $0xD, v2  }
0xa9: {  	[tilespmem:s14+$0xC100] =	vst v11;
	v15 =	vor.u32 $0x4, v5;
	v11 =	vld.idx.msk [tilespmem:v16+s8+$0x0], $0xffff  }
0xaa: {  	s31 =	simm.s32 $0x60;
	[tilespmem:s17+$0x9D00] =	vst v12;
	v12 =	vld.idx.msk [tilespmem:v17+s8+$0x0], $0xffff;
	v16 =	vor.u32 $0x1B, v7  }
0xab: {  	v18 =	vor.u32 $0x12, v1;
	v17 =	vld.idx.msk [tilespmem:v6+s8+$0x0], $0xffff;
	v6 =	vmov s31;
	[tilespmem:s15+$0xD500] =	vst v8  }
0xac: {  	v6 =	vshll.u32 v6, $0x7;
	v8 =	vor.u32 $0x9, v4;
	[tilespmem:s16+$0xB100] =	vst v9;
	v9 =	vld.idx.msk [tilespmem:v13+s8+$0x0], $0xffff  }
0xad: {  	v6 =	vor.u32 v0, v6;
	[tilespmem:s19+$0x8D00] =	vst v14;
	v10 =	vld.idx.msk [tilespmem:v10+s8+$0x0], $0xffff  }
0xae: {  	v14 =	vor.u32 $0x17, v3;
	v13 =	vld.idx.msk [tilespmem:v15+s8+$0x0], $0xffff;
	[tilespmem:s18+$0xE900] =	vst v11  }
0xaf: {  	v11 =	vor.u32 $0xE, v2;
	[tilespmem:s14+$0xC500] =	vst v12;
	v12 =	vld.idx.msk [tilespmem:v16+s8+$0x0], $0xffff  }
0xb0: {  	v15 =	vor.u32 $0x5, v5;
	[tilespmem:s17+$0xA100] =	vst v17;
	v16 =	vld.idx.msk [tilespmem:v18+s8+$0x0], $0xffff  }
0xb1: {  	v17 =	vor.u32 $0x1C, v7;
	v8 =	vld.idx.msk [tilespmem:v8+s8+$0x0], $0xffff  }
0xb2: {  	v19 =	vor.u32 $0x13, v1;
	v18 =	vld.idx.msk [tilespmem:v6+s8+$0x0], $0xffff;
	[tilespmem:s15+$0xD900] =	vst v9  }
0xb3: {  	v9 =	vor.u32 $0xA, v4;
	[tilespmem:s16+$0xB500] =	vst v10;
	v10 =	vld.idx.msk [tilespmem:v14+s8+$0x0], $0xffff  }
0xb4: {  	v14 =	vor.u32 $0x1, v6;
	[tilespmem:s19+$0x9100] =	vst v13;
	v11 =	vld.idx.msk [tilespmem:v11+s8+$0x0], $0xffff  }
0xb5: {  	s21 =	simm.s32 $0x180;
	v13 =	vld.idx.msk [tilespmem:v15+s8+$0x0], $0xffff;
	v15 =	vor.u32 $0x18, v3;
	[tilespmem:s18+$0xED00] =	vst v12  }
0xb6: {  	s21 =	sand.u32 $0x380, s21;
	s20 =	sand.u32 $0x10, s31;
	v12 =	vor.u32 $0xF, v2;
	[tilespmem:s14+$0xC900] =	vst v16;
	v16 =	vld.idx.msk [tilespmem:v17+s8+$0x0], $0xffff  }
0xb7: {  	s20 =	sor.u32 s20, s21;
	v17 =	vor.u32 $0x6, v5;
	[tilespmem:s17+$0xA500] =	vst v8;
	v8 =	vld.idx.msk [tilespmem:v19+s8+$0x0], $0xffff  }
0xb8: {  	[tilespmem:s20+$0x8100] =	vst v18;
	v9 =	vld.idx.msk [tilespmem:v9+s8+$0x0], $0xffff;
	v18 =	vor.u32 $0x1D, v7  }
0xb9: {  	v19 =	vor.u32 $0x14, v1;
	v14 =	vld.idx.msk [tilespmem:v14+s8+$0x0], $0xffff;
	[tilespmem:s15+$0xDD00] =	vst v10  }
0xba: {  	v10 =	vor.u32 $0xB, v4;
	[tilespmem:s16+$0xB900] =	vst v11;
	v11 =	vld.idx.msk [tilespmem:v15+s8+$0x0], $0xffff  }
0xbb: {  	v15 =	vor.u32 $0x2, v6;
	[tilespmem:s19+$0x9500] =	vst v13;
	v12 =	vld.idx.msk [tilespmem:v12+s8+$0x0], $0xffff  }
0xbc: {  	v13 =	vld.idx.msk [tilespmem:v17+s8+$0x0], $0xffff;
	v17 =	vor.u32 $0x19, v3;
	[tilespmem:s18+$0xF100] =	vst v16  }
0xbd: {  	v16 =	vor.u32 $0x10, v2;
	[tilespmem:s14+$0xCD00] =	vst v8;
	v8 =	vld.idx.msk [tilespmem:v18+s8+$0x0], $0xffff  }
0xbe: {  	v18 =	vor.u32 $0x7, v5;
	[tilespmem:s17+$0xA900] =	vst v9;
	v9 =	vld.idx.msk [tilespmem:v19+s8+$0x0], $0xffff  }
0xbf: {  	[tilespmem:s20+$0x8500] =	vst v14;
	v10 =	vld.idx.msk [tilespmem:v10+s8+$0x0], $0xffff;
	v14 =	vor.u32 $0x1E, v7  }
0xc0: {  	v19 =	vor.u32 $0x15, v1;
	v15 =	vld.idx.msk [tilespmem:v15+s8+$0x0], $0xffff;
	[tilespmem:s15+$0xE100] =	vst v11  }
0xc1: {  	v11 =	vor.u32 $0xC, v4;
	[tilespmem:s16+$0xBD00] =	vst v12;
	v12 =	vld.idx.msk [tilespmem:v17+s8+$0x0], $0xffff  }
0xc2: {  	v17 =	vor.u32 $0x3, v6;
	[tilespmem:s19+$0x9900] =	vst v13;
	v13 =	vld.idx.msk [tilespmem:v16+s8+$0x0], $0xffff  }
0xc3: {  	v16 =	vld.idx.msk [tilespmem:v18+s8+$0x0], $0xffff;
	v18 =	vor.u32 $0x1A, v3;
	[tilespmem:s18+$0xF500] =	vst v8  }
0xc4: {  	v8 =	vor.u32 $0x11, v2;
	[tilespmem:s14+$0xD100] =	vst v9;
	v9 =	vld.idx.msk [tilespmem:v14+s8+$0x0], $0xffff  }
0xc5: {  	v20 =	vor.u32 $0x8, v5;
	[tilespmem:s17+$0xAD00] =	vst v10;
	v19 =	vld.idx.msk [tilespmem:v19+s8+$0x0], $0xffff  }
0xc6: {  	v21 =	vor.u32 $0x1F, v7;
	[tilespmem:s20+$0x8900] =	vst v15;
	v14 =	vld.idx.msk [tilespmem:v11+s8+$0x0], $0xffff  }
0xc7: {  	v10 =	vor.u32 $0x16, v1;
	v17 =	vld.idx.msk [tilespmem:v17+s8+$0x0], $0xffff;
	[tilespmem:s15+$0xE500] =	vst v12  }
0xc8: {  	v15 =	vor.u32 $0xD, v4;
	[tilespmem:s16+$0xC100] =	vst v13;
	v11 =	vld.idx.msk [tilespmem:v18+s8+$0x0], $0xffff  }
0xc9: {  	[tilespmem:s19+$0x9D00] =	vst v16;
	v12 =	vld.idx.msk [tilespmem:v8+s8+$0x0], $0xffff;
	v18 =	vor.u32 $0x4, v6  }
0xca: {  	s21 =	simm.s32 $0x70;
	v8 =	vor.u32 $0x1B, v3;
	v16 =	vld.idx.msk [tilespmem:v20+s8+$0x0], $0xffff;
	[tilespmem:s18+$0xF900] =	vst v9  }
0xcb: {  	s22 =	simm.s32 $0x1C0;
	s23 =	simm.s32 $0x200;
	v7 =	vmov s21;
	v9 =	vor.u32 $0x12, v2;
	[tilespmem:s14+$0xD500] =	vst v19;
	v13 =	vld.idx.msk [tilespmem:v21+s8+$0x0], $0xffff  }
.LBB2_2:
0xcc: {  	p0 =	sne.s32 s23, $0x3C0;
	v7 =	vshll.u32 v7, $0x7;
	v19 =	vor.u32 $0x9, v5;
	[tilespmem:s17+$0xB100] =	vst v14;
	v10 =	vld.idx.msk [tilespmem:v10+s8+$0x0], $0xffff  }
0xcd: {  	v7 =	vor.u32 v0, v7;
	[tilespmem:s20+$0x8D00] =	vst v17;
	v14 =	vld.idx.msk [tilespmem:v15+s8+$0x0], $0xffff  }
0xce: {  	v17 =	vor.u32 $0x17, v1;
	v15 =	vld.idx.msk [tilespmem:v18+s8+$0x0], $0xffff;
	[tilespmem:s15+$0xE900] =	vst v11  }
0xcf: {  	v11 =	vor.u32 $0xE, v4;
	[tilespmem:s16+$0xC500] =	vst v12;
	v8 =	vld.idx.msk [tilespmem:v8+s8+$0x0], $0xffff  }
0xd0: {  	v12 =	vor.u32 $0x5, v6;
	[tilespmem:s19+$0xA100] =	vst v16;
	v9 =	vld.idx.msk [tilespmem:v9+s8+$0x0], $0xffff  }
0xd1: {  	v18 =	vor.u32 $0x1C, v3;
	v16 =	vld.idx.msk [tilespmem:v19+s8+$0x0], $0xffff;
	[tilespmem:s18+$0xFD00] =	vst v13;
	s18 =	smov.u32 s15;
	s15 =	smov.u32 s14;
	s14 =	smov.u32 s16  }
0xd2: {  	v19 =	vor.u32 $0x13, v2;
	s16 =	smov.u32 s17;
	s17 =	smov.u32 s19;
	s19 =	smov.u32 s20;
	v13 =	vld.idx.msk [tilespmem:v7+s8+$0x0], $0xffff;
	[tilespmem:s15+$0xD900] =	vst v10  }
0xd3: {  	v10 =	vor.u32 $0xA, v5;
	[tilespmem:s16+$0xB500] =	vst v14;
	v14 =	vld.idx.msk [tilespmem:v17+s8+$0x0], $0xffff  }
0xd4: {  	v17 =	vor.u32 $0x1, v7;
	[tilespmem:s19+$0x9100] =	vst v15;
	v11 =	vld.idx.msk [tilespmem:v11+s8+$0x0], $0xffff  }
0xd5: {  	v15 =	vor.u32 $0x18, v1;
	v12 =	vld.idx.msk [tilespmem:v12+s8+$0x0], $0xffff;
	[tilespmem:s18+$0xED00] =	vst v8  }
0xd6: {  	s24 =	sand.u32 $0x380, s22;
	s22 =	smov.u32 s23;
	s20 =	sand.u32 $0x10, s21;
	v8 =	vor.u32 $0xF, v4;
	[tilespmem:s14+$0xC900] =	vst v9;
	v9 =	vld.idx.msk [tilespmem:v18+s8+$0x0], $0xffff  }
0xd7: {  	s20 =	sor.u32 s20, s24;
	v18 =	vor.u32 $0x6, v6;
	[tilespmem:s17+$0xA500] =	vst v16;
	v16 =	vld.idx.msk [tilespmem:v19+s8+$0x0], $0xffff  }
0xd8: {  	[tilespmem:s20+$0x8100] =	vst v13;
	v10 =	vld.idx.msk [tilespmem:v10+s8+$0x0], $0xffff;
	v13 =	vor.u32 $0x1D, v3  }
0xd9: {  	v19 =	vor.u32 $0x14, v2;
	v17 =	vld.idx.msk [tilespmem:v17+s8+$0x0], $0xffff;
	[tilespmem:s15+$0xDD00] =	vst v14  }
0xda: {  	v14 =	vor.u32 $0xB, v5;
	[tilespmem:s16+$0xB900] =	vst v11;
	v11 =	vld.idx.msk [tilespmem:v15+s8+$0x0], $0xffff  }
0xdb: {  	v15 =	vor.u32 $0x2, v7;
	[tilespmem:s19+$0x9500] =	vst v12;
	v8 =	vld.idx.msk [tilespmem:v8+s8+$0x0], $0xffff  }
0xdc: {  	v12 =	vld.idx.msk [tilespmem:v18+s8+$0x0], $0xffff;
	v18 =	vor.u32 $0x19, v1;
	[tilespmem:s18+$0xF100] =	vst v9  }
0xdd: {  	v9 =	vor.u32 $0x10, v4;
	[tilespmem:s14+$0xCD00] =	vst v16;
	v13 =	vld.idx.msk [tilespmem:v13+s8+$0x0], $0xffff  }
0xde: {  	v16 =	vor.u32 $0x7, v6;
	[tilespmem:s17+$0xA900] =	vst v10;
	v10 =	vld.idx.msk [tilespmem:v19+s8+$0x0], $0xffff  }
0xdf: {  	[tilespmem:s20+$0x8500] =	vst v17;
	v14 =	vld.idx.msk [tilespmem:v14+s8+$0x0], $0xffff;
	v17 =	vor.u32 $0x1E, v3  }
0xe0: {  	v19 =	vor.u32 $0x15, v2;
	v15 =	vld.idx.msk [tilespmem:v15+s8+$0x0], $0xffff;
	[tilespmem:s15+$0xE100] =	vst v11  }
0xe1: {  	v11 =	vor.u32 $0xC, v5;
	[tilespmem:s16+$0xBD00] =	vst v8;
	v8 =	vld.idx.msk [tilespmem:v18+s8+$0x0], $0xffff  }
0xe2: {  	v18 =	vor.u32 $0x3, v7;
	[tilespmem:s19+$0x9900] =	vst v12;
	v9 =	vld.idx.msk [tilespmem:v9+s8+$0x0], $0xffff  }
0xe3: {  	v12 =	vld.idx.msk [tilespmem:v16+s8+$0x0], $0xffff;
	v16 =	vor.u32 $0x1A, v1;
	[tilespmem:s18+$0xF500] =	vst v13  }
0xe4: {  	v13 =	vor.u32 $0x11, v4;
	[tilespmem:s14+$0xD100] =	vst v10;
	v20 =	vld.idx.msk [tilespmem:v17+s8+$0x0], $0xffff  }
0xe5: {  	v21 =	vor.u32 $0x8, v6;
	[tilespmem:s17+$0xAD00] =	vst v14;
	v19 =	vld.idx.msk [tilespmem:v19+s8+$0x0], $0xffff  }
0xe6: {  	v22 =	vor.u32 $0x1F, v3;
	v3 =	vmovc v1;
	v1 =	vmovc v2;
	v2 =	vmov v4;
	v4 =	vmov v5;
	[tilespmem:s20+$0x8900] =	vst v15;
	v14 =	vld.idx.msk [tilespmem:v11+s8+$0x0], $0xffff  }
.Ltmp0:
0xe7: {  	v5 =	vmov v6;
	v6 =	vmov v7;
	v10 =	vor.u32 $0x16, v1;
	v17 =	vld.idx.msk [tilespmem:v18+s8+$0x0], $0xffff;
	[tilespmem:s15+$0xE500] =	vst v8;
	(pc) =	sbr.rel @p0 .LBB2_2-.Ltmp0, $4  }
0xe8: {  	v15 =	vor.u32 $0xD, v4;
	[tilespmem:s16+$0xC100] =	vst v9;
	v11 =	vld.idx.msk [tilespmem:v16+s8+$0x0], $0xffff  }
0xe9: {  	v18 =	vor.u32 $0x4, v6;
	[tilespmem:s19+$0x9D00] =	vst v12;
	v12 =	vld.idx.msk [tilespmem:v13+s8+$0x0], $0xffff  }
0xea: {  	s21 =	sadd.s32 $0x10, s21;
	v8 =	vor.u32 $0x1B, v3;
	v16 =	vld.idx.msk [tilespmem:v21+s8+$0x0], $0xffff;
	[tilespmem:s18+$0xF900] =	vst v20  }
0xeb: {  	s23 =	sadd.s32 $0x40, s23;
	v7 =	vmov s21;
	v9 =	vor.u32 $0x12, v2;
	[tilespmem:s14+$0xD500] =	vst v19;
	v13 =	vld.idx.msk [tilespmem:v22+s8+$0x0], $0xffff  }
0xec: {  	v7 =	vshll.u32 v7, $0x7  }
0xed: {  	v7 =	vor.u32 v0, v7;
	_ =	sdelay $0x4  }
0xee: {  	v19 =	vld.idx.msk [tilespmem:v7+s8+$0x0], $0xffff  }
0xef: {  	v20 =	vor.u32 $0x1, v7;
	_ =	sdelay $0x1  }
0xf0: {  	s21 =	sand.u32 $0x10, s21;
	s22 =	sand.u32 $0x380, s22  }
0xf1: {  	s21 =	sor.u32 s21, s22  }
0xf2: {  	[tilespmem:s21+$0x8100] =	vst v19  }
0xf3: {  	v19 =	vld.idx.msk [tilespmem:v20+s8+$0x0], $0xffff  }
0xf4: {  	v57 =	vor.u32 $0x2, v7;
	_ =	sdelay $0x3  }
0xf5: {  	[tilespmem:s21+$0x8500] =	vst v19  }
0xf6: {  	v19 =	vld.idx.msk [tilespmem:v57+s8+$0x0], $0xffff  }
0xf7: {  	v58 =	vor.u32 $0x3, v7;
	_ =	sdelay $0x3  }
0xf8: {  	[tilespmem:s21+$0x8900] =	vst v19  }
0xf9: {  	v19 =	vld.idx.msk [tilespmem:v58+s8+$0x0], $0xffff  }
0xfa: {  	v59 =	vor.u32 $0x4, v7;
	_ =	sdelay $0x2  }
0xfb: {  	[tilespmem:s20+$0x8D00] =	vst v17  }
0xfc: {  	v17 =	vld.idx.msk [tilespmem:v18+s8+$0x0], $0xffff;
	[tilespmem:s21+$0x8D00] =	vst v19  }
0xfd: {  	v60 =	vor.u32 $0x5, v6;
	v19 =	vld.idx.msk [tilespmem:v59+s8+$0x0], $0xffff  }
0xfe: {  	v61 =	vor.u32 $0x5, v7;
	_ =	sdelay $0x2  }
0xff: {  	[tilespmem:s20+$0x9100] =	vst v17  }
0x100: {  	v17 =	vld.idx.msk [tilespmem:v60+s8+$0x0], $0xffff;
	[tilespmem:s21+$0x9100] =	vst v19  }
0x101: {  	v62 =	vor.u32 $0x6, v6;
	v19 =	vld.idx.msk [tilespmem:v61+s8+$0x0], $0xffff  }
0x102: {  	v63 =	vor.u32 $0x6, v7;
	_ =	sdelay $0x2  }
0x103: {  	[tilespmem:s20+$0x9500] =	vst v17  }
0x104: {  	v17 =	vld.idx.msk [tilespmem:v62+s8+$0x0], $0xffff;
	[tilespmem:s21+$0x9500] =	vst v19  }
0x105: {  	v24 =	vor.u32 $0x7, v6;
	v19 =	vld.idx.msk [tilespmem:v63+s8+$0x0], $0xffff  }
0x106: {  	v25 =	vor.u32 $0x7, v7;
	_ =	sdelay $0x2  }
0x107: {  	[tilespmem:s20+$0x9900] =	vst v17  }
0x108: {  	v17 =	vld.idx.msk [tilespmem:v24+s8+$0x0], $0xffff;
	[tilespmem:s21+$0x9900] =	vst v19  }
0x109: {  	v26 =	vor.u32 $0x8, v6;
	v19 =	vld.idx.msk [tilespmem:v25+s8+$0x0], $0xffff  }
0x10a: {  	v27 =	vor.u32 $0x8, v7;
	_ =	sdelay $0x2  }
0x10b: {  	[tilespmem:s20+$0x9D00] =	vst v17  }
0x10c: {  	v28 =	vor.u32 $0x9, v5;
	v18 =	vld.idx.msk [tilespmem:v26+s8+$0x0], $0xffff;
	[tilespmem:s21+$0x9D00] =	vst v19  }
0x10d: {  	v29 =	vor.u32 $0x9, v6;
	v20 =	vld.idx.msk [tilespmem:v27+s8+$0x0], $0xffff  }
0x10e: {  	v21 =	vor.u32 $0x9, v7;
	_ =	sdelay $0x1  }
0x10f: {  	[tilespmem:s19+$0xA100] =	vst v16  }
0x110: {  	v16 =	vld.idx.msk [tilespmem:v28+s8+$0x0], $0xffff;
	[tilespmem:s20+$0xA100] =	vst v18  }
0x111: {  	v30 =	vor.u32 $0xA, v5;
	v18 =	vld.idx.msk [tilespmem:v29+s8+$0x0], $0xffff;
	[tilespmem:s21+$0xA100] =	vst v20  }
0x112: {  	v31 =	vor.u32 $0xA, v6;
	v20 =	vld.idx.msk [tilespmem:v21+s8+$0x0], $0xffff  }
0x113: {  	v32 =	vor.u32 $0xA, v7;
	_ =	sdelay $0x1  }
0x114: {  	[tilespmem:s19+$0xA500] =	vst v16  }
0x115: {  	v16 =	vld.idx.msk [tilespmem:v30+s8+$0x0], $0xffff;
	[tilespmem:s20+$0xA500] =	vst v18  }
0x116: {  	v33 =	vor.u32 $0xB, v5;
	v18 =	vld.idx.msk [tilespmem:v31+s8+$0x0], $0xffff;
	[tilespmem:s21+$0xA500] =	vst v20  }
0x117: {  	v34 =	vor.u32 $0xB, v6;
	v20 =	vld.idx.msk [tilespmem:v32+s8+$0x0], $0xffff  }
0x118: {  	v35 =	vor.u32 $0xB, v7;
	_ =	sdelay $0x1  }
0x119: {  	[tilespmem:s19+$0xA900] =	vst v16  }
0x11a: {  	v16 =	vld.idx.msk [tilespmem:v33+s8+$0x0], $0xffff;
	[tilespmem:s20+$0xA900] =	vst v18  }
0x11b: {  	v36 =	vor.u32 $0xC, v5;
	v18 =	vld.idx.msk [tilespmem:v34+s8+$0x0], $0xffff;
	[tilespmem:s21+$0xA900] =	vst v20  }
0x11c: {  	v37 =	vor.u32 $0xC, v6;
	v20 =	vld.idx.msk [tilespmem:v35+s8+$0x0], $0xffff  }
0x11d: {  	v38 =	vor.u32 $0xC, v7;
	_ =	sdelay $0x1  }
0x11e: {  	[tilespmem:s19+$0xAD00] =	vst v16  }
0x11f: {  	v16 =	vld.idx.msk [tilespmem:v36+s8+$0x0], $0xffff;
	[tilespmem:s20+$0xAD00] =	vst v18  }
0x120: {  	v39 =	vor.u32 $0xD, v5;
	v18 =	vld.idx.msk [tilespmem:v37+s8+$0x0], $0xffff;
	[tilespmem:s21+$0xAD00] =	vst v20  }
0x121: {  	v40 =	vor.u32 $0xD, v6;
	v20 =	vld.idx.msk [tilespmem:v38+s8+$0x0], $0xffff  }
0x122: {  	v41 =	vor.u32 $0xD, v7  }
0x123: {  	[tilespmem:s17+$0xB100] =	vst v14  }
0x124: {  	v14 =	vld.idx.msk [tilespmem:v15+s8+$0x0], $0xffff;
	[tilespmem:s19+$0xB100] =	vst v16  }
0x125: {  	v42 =	vor.u32 $0xE, v4;
	v16 =	vld.idx.msk [tilespmem:v39+s8+$0x0], $0xffff;
	[tilespmem:s20+$0xB100] =	vst v18  }
0x126: {  	v43 =	vor.u32 $0xE, v5;
	v18 =	vld.idx.msk [tilespmem:v40+s8+$0x0], $0xffff;
	[tilespmem:s21+$0xB100] =	vst v20  }
0x127: {  	v44 =	vor.u32 $0xE, v6;
	v20 =	vld.idx.msk [tilespmem:v41+s8+$0x0], $0xffff  }
0x128: {  	v45 =	vor.u32 $0xE, v7  }
0x129: {  	[tilespmem:s17+$0xB500] =	vst v14  }
0x12a: {  	v14 =	vld.idx.msk [tilespmem:v42+s8+$0x0], $0xffff;
	[tilespmem:s19+$0xB500] =	vst v16  }
0x12b: {  	v46 =	vor.u32 $0xF, v4;
	v16 =	vld.idx.msk [tilespmem:v43+s8+$0x0], $0xffff;
	[tilespmem:s20+$0xB500] =	vst v18  }
0x12c: {  	v47 =	vor.u32 $0xF, v5;
	v18 =	vld.idx.msk [tilespmem:v44+s8+$0x0], $0xffff;
	[tilespmem:s21+$0xB500] =	vst v20  }
0x12d: {  	v48 =	vor.u32 $0xF, v6;
	v20 =	vld.idx.msk [tilespmem:v45+s8+$0x0], $0xffff  }
0x12e: {  	v49 =	vor.u32 $0xF, v7  }
0x12f: {  	[tilespmem:s17+$0xB900] =	vst v14  }
0x130: {  	v14 =	vld.idx.msk [tilespmem:v46+s8+$0x0], $0xffff;
	[tilespmem:s19+$0xB900] =	vst v16  }
0x131: {  	v50 =	vor.u32 $0x10, v4;
	v16 =	vld.idx.msk [tilespmem:v47+s8+$0x0], $0xffff;
	[tilespmem:s20+$0xB900] =	vst v18  }
0x132: {  	v51 =	vor.u32 $0x10, v5;
	v18 =	vld.idx.msk [tilespmem:v48+s8+$0x0], $0xffff;
	[tilespmem:s21+$0xB900] =	vst v20  }
0x133: {  	v52 =	vor.u32 $0x10, v6;
	v20 =	vld.idx.msk [tilespmem:v49+s8+$0x0], $0xffff  }
0x134: {  	v53 =	vor.u32 $0x10, v7  }
0x135: {  	[tilespmem:s17+$0xBD00] =	vst v14  }
0x136: {  	v14 =	vld.idx.msk [tilespmem:v50+s8+$0x0], $0xffff;
	[tilespmem:s19+$0xBD00] =	vst v16  }
0x137: {  	v54 =	vor.u32 $0x11, v4;
	v16 =	vld.idx.msk [tilespmem:v51+s8+$0x0], $0xffff;
	[tilespmem:s20+$0xBD00] =	vst v18  }
0x138: {  	v55 =	vor.u32 $0x11, v5;
	v18 =	vld.idx.msk [tilespmem:v52+s8+$0x0], $0xffff;
	[tilespmem:s21+$0xBD00] =	vst v20  }
0x139: {  	v56 =	vor.u32 $0x11, v6;
	[tilespmem:s15+$0xE900] =	vst v11;
	v57 =	vld.idx.msk [tilespmem:v53+s8+$0x0], $0xffff  }
0x13a: {  	[tilespmem:s16+$0xC500] =	vst v12;
	v58 =	vor.u32 $0x11, v7  }
0x13b: {  	v10 =	vld.idx.msk [tilespmem:v10+s8+$0x0], $0xffff;
	[tilespmem:s17+$0xC100] =	vst v14  }
0x13c: {  	v14 =	vld.idx.msk [tilespmem:v54+s8+$0x0], $0xffff;
	[tilespmem:s19+$0xC100] =	vst v16  }
0x13d: {  	v59 =	vor.u32 $0x12, v4;
	v16 =	vld.idx.msk [tilespmem:v55+s8+$0x0], $0xffff;
	[tilespmem:s20+$0xC100] =	vst v18  }
0x13e: {  	v60 =	vor.u32 $0x12, v5;
	v11 =	vld.idx.msk [tilespmem:v56+s8+$0x0], $0xffff;
	[tilespmem:s21+$0xC100] =	vst v57  }
0x13f: {  	[tilespmem:s18+$0xFD00] =	vst v13;
	v61 =	vor.u32 $0x12, v6;
	v12 =	vld.idx.msk [tilespmem:v58+s8+$0x0], $0xffff  }
0x140: {  	v8 =	vld.idx.msk [tilespmem:v8+s8+$0x0], $0xffff;
	[tilespmem:s14+$0xD900] =	vst v10;
	v62 =	vor.u32 $0x12, v7  }
0x141: {  	v9 =	vld.idx.msk [tilespmem:v9+s8+$0x0], $0xffff;
	[tilespmem:s17+$0xC500] =	vst v14;
	v63 =	vor.u32 $0x17, v1  }
0x142: {  	v15 =	vld.idx.msk [tilespmem:v59+s8+$0x0], $0xffff;
	[tilespmem:s19+$0xC500] =	vst v16;
	v21 =	vor.u32 $0x13, v2  }
0x143: {  	v22 =	vor.u32 $0x13, v4;
	v17 =	vld.idx.msk [tilespmem:v60+s8+$0x0], $0xffff;
	[tilespmem:s20+$0xC500] =	vst v11  }
0x144: {  	v23 =	vor.u32 $0x13, v5;
	v13 =	vld.idx.msk [tilespmem:v61+s8+$0x0], $0xffff;
	[tilespmem:s21+$0xC500] =	vst v12  }
0x145: {  	[tilespmem:s15+$0xED00] =	vst v8;
	v24 =	vor.u32 $0x13, v6;
	v10 =	vld.idx.msk [tilespmem:v62+s8+$0x0], $0xffff  }
0x146: {  	[tilespmem:s16+$0xC900] =	vst v9;
	v26 =	vor.u32 $0x13, v7;
	v25 =	vld.idx.msk [tilespmem:v63+s8+$0x0], $0xffff  }
0x147: {  	[tilespmem:s17+$0xC900] =	vst v15;
	v34 =	vor.u32 $0x18, v1;
	v14 =	vld.idx.msk [tilespmem:v21+s8+$0x0], $0xffff  }
0x148: {  	v28 =	vor.u32 $0x14, v2;
	v16 =	vld.idx.msk [tilespmem:v22+s8+$0x0], $0xffff;
	[tilespmem:s19+$0xC900] =	vst v17  }
0x149: {  	v29 =	vor.u32 $0x14, v4;
	v11 =	vld.idx.msk [tilespmem:v23+s8+$0x0], $0xffff;
	[tilespmem:s20+$0xC900] =	vst v13  }
0x14a: {  	v30 =	vor.u32 $0x14, v5;
	v8 =	vld.idx.msk [tilespmem:v24+s8+$0x0], $0xffff;
	[tilespmem:s21+$0xC900] =	vst v10  }
0x14b: {  	v31 =	vor.u32 $0x14, v6;
	[tilespmem:s14+$0xDD00] =	vst v25;
	v9 =	vld.idx.msk [tilespmem:v26+s8+$0x0], $0xffff  }
0x14c: {  	v33 =	vor.u32 $0x14, v7;
	v40 =	vld.idx.msk [tilespmem:v34+s8+$0x0], $0xffff;
	[tilespmem:s16+$0xCD00] =	vst v14  }
0x14d: {  	v27 =	vor.u32 $0x1C, v3;
	[tilespmem:s17+$0xCD00] =	vst v16;
	v15 =	vld.idx.msk [tilespmem:v28+s8+$0x0], $0xffff  }
0x14e: {  	v17 =	vld.idx.msk [tilespmem:v29+s8+$0x0], $0xffff;
	v35 =	vor.u32 $0x15, v2;
	[tilespmem:s19+$0xCD00] =	vst v11  }
0x14f: {  	v36 =	vor.u32 $0x15, v4;
	v13 =	vld.idx.msk [tilespmem:v30+s8+$0x0], $0xffff;
	[tilespmem:s20+$0xCD00] =	vst v8  }
0x150: {  	v37 =	vor.u32 $0x15, v5;
	v10 =	vld.idx.msk [tilespmem:v31+s8+$0x0], $0xffff;
	[tilespmem:s21+$0xCD00] =	vst v9  }
0x151: {  	[tilespmem:s14+$0xE100] =	vst v40;
	v38 =	vor.u32 $0x15, v6;
	v39 =	vld.idx.msk [tilespmem:v33+s8+$0x0], $0xffff  }
0x152: {  	v32 =	vld.idx.msk [tilespmem:v27+s8+$0x0], $0xffff;
	[tilespmem:s16+$0xD100] =	vst v15;
	v41 =	vor.u32 $0x15, v7  }
0x153: {  	v42 =	vor.u32 $0x1D, v3;
	[tilespmem:s17+$0xD100] =	vst v17;
	v16 =	vld.idx.msk [tilespmem:v35+s8+$0x0], $0xffff  }
0x154: {  	v43 =	vor.u32 $0x16, v2;
	v11 =	vld.idx.msk [tilespmem:v36+s8+$0x0], $0xffff;
	[tilespmem:s19+$0xD100] =	vst v13  }
0x155: {  	v44 =	vor.u32 $0x16, v4;
	v8 =	vld.idx.msk [tilespmem:v37+s8+$0x0], $0xffff;
	[tilespmem:s20+$0xD100] =	vst v10  }
0x156: {  	v45 =	vor.u32 $0x16, v5;
	v9 =	vld.idx.msk [tilespmem:v38+s8+$0x0], $0xffff;
	[tilespmem:s21+$0xD100] =	vst v39  }
0x157: {  	v46 =	vor.u32 $0x16, v6;
	[tilespmem:s15+$0xF100] =	vst v32;
	v47 =	vld.idx.msk [tilespmem:v41+s8+$0x0], $0xffff  }
0x158: {  	v48 =	vld.idx.msk [tilespmem:v42+s8+$0x0], $0xffff;
	[tilespmem:s16+$0xD500] =	vst v16;
	v49 =	vor.u32 $0x16, v7  }
0x159: {  	v50 =	vor.u32 $0x19, v1;
	v17 =	vld.idx.msk [tilespmem:v43+s8+$0x0], $0xffff;
	[tilespmem:s17+$0xD500] =	vst v11  }
0x15a: {  	v51 =	vor.u32 $0x17, v2;
	v13 =	vld.idx.msk [tilespmem:v44+s8+$0x0], $0xffff;
	[tilespmem:s19+$0xD500] =	vst v8  }
0x15b: {  	v52 =	vor.u32 $0x17, v4;
	v10 =	vld.idx.msk [tilespmem:v45+s8+$0x0], $0xffff;
	[tilespmem:s20+$0xD500] =	vst v9  }
0x15c: {  	v53 =	vor.u32 $0x17, v5;
	v12 =	vld.idx.msk [tilespmem:v46+s8+$0x0], $0xffff;
	[tilespmem:s21+$0xD500] =	vst v47  }
0x15d: {  	v54 =	vor.u32 $0x17, v6;
	[tilespmem:s15+$0xF500] =	vst v48;
	v55 =	vld.idx.msk [tilespmem:v49+s8+$0x0], $0xffff  }
0x15e: {  	v56 =	vld.idx.msk [tilespmem:v50+s8+$0x0], $0xffff;
	[tilespmem:s16+$0xD900] =	vst v17;
	v57 =	vor.u32 $0x17, v7  }
0x15f: {  	v23 =	vor.u32 $0x1A, v1;
	v11 =	vld.idx.msk [tilespmem:v51+s8+$0x0], $0xffff;
	[tilespmem:s17+$0xD900] =	vst v13  }
0x160: {  	v59 =	vor.u32 $0x18, v2;
	v8 =	vld.idx.msk [tilespmem:v52+s8+$0x0], $0xffff;
	[tilespmem:s19+$0xD900] =	vst v10  }
0x161: {  	v60 =	vor.u32 $0x18, v4;
	v9 =	vld.idx.msk [tilespmem:v53+s8+$0x0], $0xffff;
	[tilespmem:s20+$0xD900] =	vst v12  }
0x162: {  	v61 =	vor.u32 $0x18, v5;
	v14 =	vld.idx.msk [tilespmem:v54+s8+$0x0], $0xffff;
	[tilespmem:s21+$0xD900] =	vst v55  }
0x163: {  	[tilespmem:s14+$0xE500] =	vst v56;
	v62 =	vor.u32 $0x18, v6;
	v63 =	vld.idx.msk [tilespmem:v57+s8+$0x0], $0xffff  }
0x164: {  	v22 =	vor.u32 $0x18, v7;
	v28 =	vld.idx.msk [tilespmem:v23+s8+$0x0], $0xffff;
	[tilespmem:s16+$0xDD00] =	vst v11  }
0x165: {  	v13 =	vld.idx.msk [tilespmem:v59+s8+$0x0], $0xffff;
	[tilespmem:s17+$0xDD00] =	vst v8;
	v58 =	vor.u32 $0x1E, v3  }
0x166: {  	v24 =	vor.u32 $0x19, v2;
	v10 =	vld.idx.msk [tilespmem:v60+s8+$0x0], $0xffff;
	[tilespmem:s19+$0xDD00] =	vst v9  }
0x167: {  	v25 =	vor.u32 $0x19, v4;
	v12 =	vld.idx.msk [tilespmem:v61+s8+$0x0], $0xffff;
	[tilespmem:s20+$0xDD00] =	vst v14  }
0x168: {  	v26 =	vor.u32 $0x19, v5;
	v15 =	vld.idx.msk [tilespmem:v62+s8+$0x0], $0xffff;
	[tilespmem:s21+$0xDD00] =	vst v63  }
0x169: {  	v27 =	vor.u32 $0x19, v6;
	[tilespmem:s14+$0xE900] =	vst v28;
	v11 =	vld.idx.msk [tilespmem:v22+s8+$0x0], $0xffff  }
0x16a: {  	v29 =	vor.u32 $0x19, v7;
	[tilespmem:s16+$0xE100] =	vst v13;
	v21 =	vld.idx.msk [tilespmem:v58+s8+$0x0], $0xffff  }
0x16b: {  	v8 =	vld.idx.msk [tilespmem:v24+s8+$0x0], $0xffff;
	v3 =	vor.u32 $0x1F, v3;
	[tilespmem:s17+$0xE100] =	vst v10  }
0x16c: {  	v30 =	vor.u32 $0x1A, v2;
	v9 =	vld.idx.msk [tilespmem:v25+s8+$0x0], $0xffff;
	[tilespmem:s19+$0xE100] =	vst v12  }
0x16d: {  	v31 =	vor.u32 $0x1A, v4;
	v14 =	vld.idx.msk [tilespmem:v26+s8+$0x0], $0xffff;
	[tilespmem:s20+$0xE100] =	vst v15  }
0x16e: {  	v32 =	vor.u32 $0x1A, v5;
	v16 =	vld.idx.msk [tilespmem:v27+s8+$0x0], $0xffff;
	[tilespmem:s21+$0xE100] =	vst v11  }
0x16f: {  	[tilespmem:s15+$0xF900] =	vst v21;
	v33 =	vor.u32 $0x1A, v6;
	v13 =	vld.idx.msk [tilespmem:v29+s8+$0x0], $0xffff  }
0x170: {  	v34 =	vor.u32 $0x1A, v7;
	[tilespmem:s16+$0xE500] =	vst v8;
	v3 =	vld.idx.msk [tilespmem:v3+s8+$0x0], $0xffff  }
0x171: {  	v35 =	vor.u32 $0x1B, v1;
	v10 =	vld.idx.msk [tilespmem:v30+s8+$0x0], $0xffff;
	[tilespmem:s17+$0xE500] =	vst v9  }
0x172: {  	v36 =	vor.u32 $0x1B, v2;
	v12 =	vld.idx.msk [tilespmem:v31+s8+$0x0], $0xffff;
	[tilespmem:s19+$0xE500] =	vst v14  }
0x173: {  	v37 =	vor.u32 $0x1B, v4;
	v15 =	vld.idx.msk [tilespmem:v32+s8+$0x0], $0xffff;
	[tilespmem:s20+$0xE500] =	vst v16  }
0x174: {  	v38 =	vor.u32 $0x1B, v5;
	v11 =	vld.idx.msk [tilespmem:v33+s8+$0x0], $0xffff;
	[tilespmem:s21+$0xE500] =	vst v13  }
0x175: {  	[tilespmem:s15+$0xFD00] =	vst v3;
	v3 =	vor.u32 $0x1B, v6;
	v8 =	vld.idx.msk [tilespmem:v34+s8+$0x0], $0xffff  }
0x176: {  	v40 =	vor.u32 $0x1B, v7;
	v39 =	vld.idx.msk [tilespmem:v35+s8+$0x0], $0xffff;
	[tilespmem:s16+$0xE900] =	vst v10  }
0x177: {  	v41 =	vor.u32 $0x1C, v1;
	v9 =	vld.idx.msk [tilespmem:v36+s8+$0x0], $0xffff;
	[tilespmem:s17+$0xE900] =	vst v12  }
0x178: {  	v42 =	vor.u32 $0x1C, v2;
	v14 =	vld.idx.msk [tilespmem:v37+s8+$0x0], $0xffff;
	[tilespmem:s19+$0xE900] =	vst v15  }
0x179: {  	v43 =	vor.u32 $0x1C, v4;
	v16 =	vld.idx.msk [tilespmem:v38+s8+$0x0], $0xffff;
	[tilespmem:s20+$0xE900] =	vst v11  }
0x17a: {  	v44 =	vor.u32 $0x1C, v5;
	v3 =	vld.idx.msk [tilespmem:v3+s8+$0x0], $0xffff;
	[tilespmem:s21+$0xE900] =	vst v8  }
0x17b: {  	v45 =	vor.u32 $0x1C, v6;
	[tilespmem:s14+$0xED00] =	vst v39;
	v10 =	vld.idx.msk [tilespmem:v40+s8+$0x0], $0xffff  }
0x17c: {  	v46 =	vor.u32 $0x1C, v7;
	[tilespmem:s16+$0xED00] =	vst v9;
	v13 =	vld.idx.msk [tilespmem:v41+s8+$0x0], $0xffff  }
0x17d: {  	v47 =	vor.u32 $0x1D, v1;
	v12 =	vld.idx.msk [tilespmem:v42+s8+$0x0], $0xffff;
	[tilespmem:s17+$0xED00] =	vst v14  }
0x17e: {  	v48 =	vor.u32 $0x1D, v2;
	v15 =	vld.idx.msk [tilespmem:v43+s8+$0x0], $0xffff;
	[tilespmem:s19+$0xED00] =	vst v16  }
0x17f: {  	v49 =	vor.u32 $0x1D, v4;
	v11 =	vld.idx.msk [tilespmem:v44+s8+$0x0], $0xffff;
	[tilespmem:s20+$0xED00] =	vst v3  }
0x180: {  	v3 =	vor.u32 $0x1D, v5;
	v8 =	vld.idx.msk [tilespmem:v45+s8+$0x0], $0xffff;
	[tilespmem:s21+$0xED00] =	vst v10  }
0x181: {  	v50 =	vor.u32 $0x1D, v6;
	[tilespmem:s14+$0xF100] =	vst v13;
	v9 =	vld.idx.msk [tilespmem:v46+s8+$0x0], $0xffff  }
0x182: {  	v51 =	vor.u32 $0x1D, v7;
	[tilespmem:s16+$0xF100] =	vst v12;
	v13 =	vld.idx.msk [tilespmem:v47+s8+$0x0], $0xffff  }
0x183: {  	v52 =	vor.u32 $0x1E, v1;
	v14 =	vld.idx.msk [tilespmem:v48+s8+$0x0], $0xffff;
	[tilespmem:s17+$0xF100] =	vst v15  }
0x184: {  	v53 =	vor.u32 $0x1E, v2;
	v16 =	vld.idx.msk [tilespmem:v49+s8+$0x0], $0xffff;
	[tilespmem:s19+$0xF100] =	vst v11  }
0x185: {  	v54 =	vor.u32 $0x1E, v4;
	v3 =	vld.idx.msk [tilespmem:v3+s8+$0x0], $0xffff;
	[tilespmem:s20+$0xF100] =	vst v8  }
0x186: {  	v55 =	vor.u32 $0x1E, v5;
	v10 =	vld.idx.msk [tilespmem:v50+s8+$0x0], $0xffff;
	[tilespmem:s21+$0xF100] =	vst v9  }
0x187: {  	v56 =	vor.u32 $0x1E, v6;
	[tilespmem:s14+$0xF500] =	vst v13;
	v12 =	vld.idx.msk [tilespmem:v51+s8+$0x0], $0xffff  }
0x188: {  	v57 =	vor.u32 $0x1E, v7;
	[tilespmem:s16+$0xF500] =	vst v14;
	v13 =	vld.idx.msk [tilespmem:v52+s8+$0x0], $0xffff  }
0x189: {  	v1 =	vor.u32 $0x1F, v1;
	v15 =	vld.idx.msk [tilespmem:v53+s8+$0x0], $0xffff;
	[tilespmem:s17+$0xF500] =	vst v16  }
0x18a: {  	v2 =	vor.u32 $0x1F, v2;
	v11 =	vld.idx.msk [tilespmem:v54+s8+$0x0], $0xffff;
	[tilespmem:s19+$0xF500] =	vst v3  }
0x18b: {  	v3 =	vor.u32 $0x1F, v4;
	v58 =	vld.idx.msk [tilespmem:v55+s8+$0x0], $0xffff;
	[tilespmem:s20+$0xF500] =	vst v10  }
0x18c: {  	v59 =	vor.u32 $0x1F, v5;
	v60 =	vld.idx.msk [tilespmem:v56+s8+$0x0], $0xffff;
	[tilespmem:s21+$0xF500] =	vst v12  }
0x18d: {  	v61 =	vor.u32 $0x1F, v6;
	[tilespmem:s14+$0xF900] =	vst v13;
	v62 =	vld.idx.msk [tilespmem:v57+s8+$0x0], $0xffff  }
0x18e: {  	v7 =	vor.u32 $0x1F, v7;
	[tilespmem:s16+$0xF900] =	vst v15;
	v1 =	vld.idx.msk [tilespmem:v1+s8+$0x0], $0xffff  }
0x18f: {  	v2 =	vld.idx.msk [tilespmem:v2+s8+$0x0], $0xffff;
	[tilespmem:s17+$0xF900] =	vst v11  }
0x190: {  	v3 =	vld.idx.msk [tilespmem:v3+s8+$0x0], $0xffff;
	[tilespmem:s19+$0xF900] =	vst v58  }
0x191: {  	v4 =	vld.idx.msk [tilespmem:v59+s8+$0x0], $0xffff;
	[tilespmem:s20+$0xF900] =	vst v60  }
0x192: {  	v63 =	vld.idx.msk [tilespmem:v61+s8+$0x0], $0xffff;
	[tilespmem:s21+$0xF900] =	vst v62  }
0x193: {  	[tilespmem:s14+$0xFD00] =	vst v1;
	v1 =	vld.idx.msk [tilespmem:v7+s8+$0x0], $0xffff  }
0x194: {  	[tilespmem:s16+$0xFD00] =	vst v2  }
0x195: {  	[tilespmem:s17+$0xFD00] =	vst v3  }
0x196: {  	s13 =	sadd.s32 $0x1, s13;
	[tilespmem:s19+$0xFD00] =	vst v4  }
0x197: {  	p0 =	sne.s32 s13, s6;
	[tilespmem:s20+$0xFD00] =	vst v63  }
.Ltmp1:
0x198: {  	[tilespmem:s21+$0xFD00] =	vst v1;
	(pc) =	sbr.rel @p0 .LBB2_1-.Ltmp1, $4  }
0x199: {  	[hbm4b:s5+s10] =	stream.strided.scatter [tilespmem:s12], [sflag:$0x2], $0x8000, s11, s10, $0x38;
	[tilespmem:$0x10100] =	vst v63  }
0x19a: {  	_ =	swait.ge [sflag:s7], $0x8000  }
0x19b: {  	[sflag:s7] =	ssyncset.done $0x0  }
0x19c: {  	[sflag:s7] =	ssyncadd.s32 $0xFFFF8000  }
0x19d: {  	_ =	sfence.sel $0x180000  }
0x19e: {  	[bflag:$0x0] =	sbarrier.arrive $0xFFFF  }
0x19f: {  	p0 =	sne.s32 s1, $0x0;
	_ =	strace $0x90000047  }
0x1a0: {  	s0 =	sadd.s32 @!p0 $0x100000, s0;
	[bflag:$0x2] =	sbarrier.arrive $0xFFFF  }
0x1a1: {  	[sflag:s0] =	ssyncadd.tile.s32 @!p0 $0x1;
	_ =	shalt  }
.Lfunc_end2:
_tile_overlayer_lowered:
.L_overlay_start_2:
0x1a2: {  	(tag) =	ssettag $0x2  }
0x1a3: {  	s0 =	rddreg [dreg:$0x0];
	s2 =	stileid.u32  }
0x1a4: {  	s1 =	rddreg [dreg:$0x1];
	p0 =	sne.s32 s2, $0x0  }
0x1a5: {  	s3 =	rddreg [dreg:$0x2];
	[bflag:$0x3] =	sbarrier.arrive $0xFFFF;
	s2 =	simm.s32 @!p0 $0x1C02  }
0x1a6: {  	[timem:s3], [sflag:s2] =	dma.local @!p0 [hbm:s0], s1  }
0x1a7: {  	s0 =	simm.s32 @!p0 $0x2  }
0x1a8: {  	_ =	swait.ge @!p0 [sflag:s0], s1  }
0x1a9: {  	s1 =	ssub.s32 @!p0 $0x0, s1;
	[sflag:s0] =	ssyncset.done @!p0 $0x0  }
0x1aa: {  	[sflag:s0] =	ssyncadd.s32 @!p0 s1  }
0x1ab: {  	[bflag:$0x3] =	sbarrier.arrive $0xFFFF  }
0x1ac: {  	_ =	shalt  }

</sc_bundles>
